<compile_context>
chip_gen: v7x
topology: tpu7x:2x2x1
jax: 0.10.2.dev20260603
libtpu: 0.0.44.dev20260713+nightly
codegen_flags: <defaults>
</compile_context>

<pallas_src>
import functools

import jax
import jax.numpy as jnp
import numpy as np
from jax import lax
from jax.experimental import pallas as pl
from jax.experimental.pallas import tpu as pltpu
from jax.experimental.pallas import tpu_sc as plsc

_N_TP = 3
_P = 15
_D = 512
_HID = 512
_NA = 32
_T = 128
_A = 16
_N = _T * _A
_TYPE = np.array([0] * 8 + [1] * 4 + [2] * 4, dtype=np.int32)
_BLK = 128
_POOLS = ((0, 1024, 0, 12), (1024, 512, 12, 8), (1536, 512, 20, 8))
_EBLOCKS = 28
_CBLOCKS = _N // _BLK
_GRID = _EBLOCKS

_NC = 2
_NS = 16
_NW = _NC * _NS


def _routing_metadata(hete_pick):
    tp = jnp.asarray(_TYPE)[None, :]
    ph = (hete_pick.astype(jnp.int32) * _N_TP + tp).reshape(-1)
    onehot = (ph[:, None] == jnp.arange(_P, dtype=jnp.int32)[None, :]).astype(jnp.int32)
    ranks = jnp.cumsum(onehot, axis=0)
    counts = ranks[-1]
    rank = jnp.sum(ranks * onehot, axis=1) - 1
    c53 = counts.reshape(5, 3)
    nb53 = (c53 + _BLK - 1) // _BLK
    cum53 = jnp.cumsum(nb53, axis=0)
    base_blocks = jnp.asarray(np.array([p[2] for p in _POOLS], np.int32))
    poff53 = (cum53 - nb53 + base_blocks[None, :]) * _BLK
    poff = poff53.reshape(_P)
    tok_pos = jnp.sum(onehot * poff[None, :], axis=1) + rank
    eids = []
    for t, (_, _, b0, nb) in enumerate(_POOLS):
        lb = jnp.arange(nb, dtype=jnp.int32)
        g = jnp.sum((lb[:, None] >= cum53[None, :, t]).astype(jnp.int32), axis=1)
        eids.append(3 * jnp.minimum(g, 4) + t)
    blk_eid = jnp.concatenate(eids)
    return tok_pos.astype(jnp.int32), blk_eid.astype(jnp.int32)


def _pool_perm_cols(a2):
    return jnp.concatenate([a2[:, :8].reshape(-1, *a2.shape[2:]),
                            a2[:, 8:12].reshape(-1, *a2.shape[2:]),
                            a2[:, 12:16].reshape(-1, *a2.shape[2:])], axis=0)


@functools.lru_cache(maxsize=None)
def _make_sc_gather(n_out, d, n_chunks):
    assert n_out % (8 * _NW) == 0 and d % 16 == 0
    b_per_w = n_out // _NW
    assert b_per_w % n_chunks == 0 and (b_per_w // n_chunks) % 8 == 0
    chunk = b_per_w // n_chunks
    mesh = plsc.VectorSubcoreMesh(core_axis_name="c", subcore_axis_name="s",
                                  num_cores=_NC, num_subcores=_NS)

    @functools.partial(
        pl.kernel, mesh=mesh,
        out_type=jax.ShapeDtypeStruct((n_out, d), jnp.float32),
        scratch_types=[
            pltpu.VMEM((b_per_w,), jnp.int32),
            pltpu.VMEM((b_per_w, d), jnp.float32),
            pltpu.SemaphoreType.DMA,
        ],
    )
    def gather(table_hbm, idx_hbm, out_hbm, idx_v, rows_v, sem):
        wid = lax.axis_index("s") * _NC + lax.axis_index("c")
        base = wid * b_per_w
        pltpu.sync_copy(idx_hbm.at[pl.ds(base, b_per_w)], idx_v)
        copies = [
            pltpu.async_copy(table_hbm.at[idx_v.at[pl.ds(c * chunk, chunk)]],
                             rows_v.at[pl.ds(c * chunk, chunk)], sem)
            for c in range(n_chunks)
        ]
        for cp in copies:
            cp.wait()
        pltpu.sync_copy(rows_v, out_hbm.at[pl.ds(base, b_per_w)])

    return gather


_LAN = 128


def _sc_unsort(table, idx):
    return _make_sc_gather(_N, _LAN, 8)(table, idx)


def _mlp_body(eid_ref, tok_pos_ref, x_ref,
              w1_ref, w2_ref, wa_ref, b1_ref, b2_ref, ba_ref,
              vw1_ref, vb1_ref, vw2_ref, vb2_ref, vw3_ref, vb3_ref,
              oe_ref, ov_ref):
    i = pl.program_id(0)

    for off, k, b0, nb in _POOLS:
        @pl.when(jnp.logical_and(i >= b0, i < b0 + nb))
        def _expert(off=off, k=k):
            eid = eid_ref[i]
            sel = tok_pos_ref[:, off:off + k] - i * _BLK
            row = jax.lax.broadcasted_iota(jnp.int32, (_BLK, k), 0)
            onehot = (row == sel).astype(jnp.float32)
            xb = jnp.dot(onehot, x_ref[off:off + k, :], preferred_element_type=jnp.float32)
            b1 = b1_ref[pl.ds(eid, 1), :]
            b2 = b2_ref[pl.ds(eid, 1), :]
            ba = ba_ref[pl.ds(eid, 1), :]
            h = jnp.maximum(jnp.dot(xb, w1_ref[0], preferred_element_type=jnp.float32) + b1, 0.0)
            h = jnp.maximum(jnp.dot(h, w2_ref[0], preferred_element_type=jnp.float32) + b2, 0.0)
            res = jnp.dot(h, wa_ref[0], preferred_element_type=jnp.float32) + ba
            oe_ref[...] = jnp.concatenate(
                [res, jnp.zeros((_BLK, _LAN - _NA), jnp.float32)], axis=1)

    @pl.when(i < _CBLOCKS)
    def _critic():
        xb = x_ref[pl.ds(i * _BLK, _BLK), :]
        h = jnp.maximum(jnp.dot(xb, vw1_ref[...], preferred_element_type=jnp.float32) + vb1_ref[...], 0.0)
        h = jnp.maximum(jnp.dot(h, vw2_ref[...], preferred_element_type=jnp.float32) + vb2_ref[...], 0.0)
        val = jnp.dot(h, vw3_ref[...], preferred_element_type=jnp.float32) + vb3_ref[...]
        ov_ref[...] = val


def _mlp(tok_pos_pool, blk_eid, x_pool, W1, b1, W2, b2, Wa, ba,
         Vw1, Vb1, Vw2, Vb2, Vw3, Vb3):
    ew = lambda i, eid: (eid[jnp.minimum(i, _EBLOCKS - 1)], 0, 0)
    full = lambda i, eid: (0, 0)
    grid_spec = pltpu.PrefetchScalarGridSpec(
        num_scalar_prefetch=1,
        grid=(_GRID,),
        in_specs=[
            pl.BlockSpec((1, _N), full),
            pl.BlockSpec((_N, _D), full),
            pl.BlockSpec((1, _D, _HID), ew),
            pl.BlockSpec((1, _HID, _HID), ew),
            pl.BlockSpec((1, _HID, _NA), ew),
            pl.BlockSpec((_P, _HID), full),
            pl.BlockSpec((_P, _HID), full),
            pl.BlockSpec((_P, _NA), full),
            pl.BlockSpec((_D, _HID), full),
            pl.BlockSpec((1, _HID), full),
            pl.BlockSpec((_HID, _HID), full),
            pl.BlockSpec((1, _HID), full),
            pl.BlockSpec((_HID, 1), full),
            pl.BlockSpec((1, 1), full),
        ],
        out_specs=[
            pl.BlockSpec((_BLK, _LAN), lambda i, eid: (i, 0)),
            pl.BlockSpec((_BLK, 1), lambda i, eid: (jnp.minimum(i, _CBLOCKS), 0)),
        ],
    )
    return pl.pallas_call(
        _mlp_body, grid_spec=grid_spec,
        out_shape=[
            jax.ShapeDtypeStruct((_EBLOCKS * _BLK, _LAN), jnp.float32),
            jax.ShapeDtypeStruct(((_CBLOCKS + 1) * _BLK, 1), jnp.float32),
        ],
    )(blk_eid, tok_pos_pool.reshape(1, _N), x_pool,
      W1, W2, Wa, b1, b2, ba,
      Vw1, Vb1.reshape(1, _HID), Vw2, Vb2.reshape(1, _HID), Vw3, Vb3.reshape(1, 1))


def kernel(obs, hete_pick, W1, b1, W2, b2, Wa, ba, Vw1, Vb1, Vw2, Vb2, Vw3, Vb3):
    tok_pos, blk_eid = _routing_metadata(hete_pick)
    x_pool = _pool_perm_cols(obs)
    tok_pos_pool = _pool_perm_cols(tok_pos.reshape(_T, _A, 1))[:, 0]
    logits_sorted, val_pool = _mlp(tok_pos_pool, blk_eid, x_pool,
                                   W1, b1, W2, b2, Wa, ba,
                                   Vw1, Vb1, Vw2, Vb2, Vw3, Vb3)
    logits = _sc_unsort(logits_sorted, tok_pos)[:, :_NA]
    v = val_pool[:_N]
    val = jnp.concatenate([v[:1024].reshape(_T, 8), v[1024:1536].reshape(_T, 4),
                           v[1536:].reshape(_T, 4)], axis=1).reshape(_N, 1)
    return jnp.concatenate([logits, val], axis=-1).reshape(_T, _A, _NA + 1)

# --- scband reference (transcript-rebuilt; emitter-appended) ---
"""Pipeline reference for scband-hete-net-84988812853491 (READ-ONLY COPY).

The authoritative reference and input builder live on the scoring server;
editing this copy changes nothing except your own understanding.
"""

import jax, jax.numpy as jnp
import numpy as np

N_TP = 3
N_GP = 5
P = N_TP * N_GP
D = 512
HID = 512
NA = 32
T = 128
A = 16
HETE_TYPE = np.array([0]*8 + [1]*4 + [2]*4, dtype=np.int64)


def setup_inputs(seed: int = 0) -> dict:
    key = jax.random.key(seed)
    ks = jax.random.split(key, 16)
    obs = jax.random.normal(ks[0], (T, A, D), dtype=jnp.float32)
    hete_pick = jax.random.randint(ks[1], (T, A), 0, N_GP, dtype=jnp.int64)
    s1 = 1.0 / np.sqrt(D)
    s2 = 1.0 / np.sqrt(HID)
    W1 = jax.random.normal(ks[2], (P, D, HID), dtype=jnp.float32) * s1
    b1 = jnp.zeros((P, HID), dtype=jnp.float32)
    W2 = jax.random.normal(ks[3], (P, HID, HID), dtype=jnp.float32) * s2
    b2 = jnp.zeros((P, HID), dtype=jnp.float32)
    Wa = jax.random.normal(ks[4], (P, HID, NA), dtype=jnp.float32) * s2
    ba = jnp.zeros((P, NA), dtype=jnp.float32)
    Vw1 = jax.random.normal(ks[5], (D, HID), dtype=jnp.float32) * s1
    Vb1 = jnp.zeros((HID,), dtype=jnp.float32)
    Vw2 = jax.random.normal(ks[6], (HID, HID), dtype=jnp.float32) * s2
    Vb2 = jnp.zeros((HID,), dtype=jnp.float32)
    Vw3 = jax.random.normal(ks[7], (HID, 1), dtype=jnp.float32) * s2
    Vb3 = jnp.zeros((1,), dtype=jnp.float32)
    return {"obs": obs, "hete_pick": hete_pick, "W1": W1, "b1": b1, "W2": W2, "b2": b2,
            "Wa": Wa, "ba": ba, "Vw1": Vw1, "Vb1": Vb1, "Vw2": Vw2, "Vb2": Vb2,
            "Vw3": Vw3, "Vb3": Vb3}


def reference(obs, hete_pick, W1, b1, W2, b2, Wa, ba, Vw1, Vb1, Vw2, Vb2, Vw3, Vb3):
    # HeteNet distribute_compute: each (thread, agent) token is routed to the
    # placeholder net ph = group * n_tp + type; result scattered back to
    # [n_threads, n_agents, ...]. Central critic runs on all tokens.
    x = obs.reshape(-1, obs.shape[-1])                      # [N, D]
    tp = jnp.asarray(HETE_TYPE)[None, :]                    # [1, A]
    ph = (hete_pick * N_TP + tp).reshape(-1)                # [N] placeholder index
    # per-placeholder policy MLP (dense over experts, then routed select)
    h1 = jax.nn.relu(jnp.einsum('nd,pdh->pnh', x, W1) + b1[:, None, :])
    h2 = jax.nn.relu(jnp.einsum('pnh,phk->pnk', h1, W2) + b2[:, None, :])
    logits_all = jnp.einsum('pnk,pka->pna', h2, Wa) + ba[:, None, :]  # [P, N, NA]
    N = x.shape[0]
    logits = logits_all[ph, jnp.arange(N)]                  # [N, NA] routed gather
    # central critic (shared across all agents)
    v1 = jax.nn.relu(x @ Vw1 + Vb1)
    v2 = jax.nn.relu(v1 @ Vw2 + Vb2)
    val = v2 @ Vw3 + Vb3                                    # [N, 1]
    out = jnp.concatenate([logits, val], axis=-1).reshape(T, A, NA + 1)
    return out

if __name__ == "__main__":
    import jax
    _d = setup_inputs()
    print(jax.jit(kernel)(*tuple(_d.values())))

</pallas_src>

<mosaic_0001>
#map = affine_map<(d0, d1) -> (0, 0)>
#map1 = affine_map<(d0, d1) -> (0)>
module attributes {stable_mosaic.version = 14 : i64} {
  func.func @gather(%arg0: i32, %arg1: i32, %arg2: memref<3584x128xf32, #tpu.memory_space<hbm>>, %arg3: memref<2048xi32, #tpu.memory_space<hbm>>, %arg4: memref<2048x128xf32, #tpu.memory_space<hbm>>, %arg5: memref<64xi32, #tpu.memory_space<vmem>>, %arg6: memref<64x128xf32, #tpu.memory_space<vmem>>, %arg7: memref<!tpu.dma_semaphore, #tpu.memory_space<semaphore_mem>>) attributes {dimension_semantics = [#tpu.dimension_semantics<core_parallel>, #tpu.dimension_semantics<subcore_parallel>], iteration_bounds = array<i64: 2, 16>, scalar_prefetch = 0 : i64, scratch_operands = 3 : i64, tpu.core_type = #tpu.core_type<sc_vector_subcore>, window_params = [{transform_indices = #map}, {transform_indices = #map1}, {transform_indices = #map}]} {
    %mul3A = arith.constant 2 : i32
    %mul3A_0 = arith.muli %arg1, %mul3A : i32
    %add3A = arith.addi %mul3A_0, %arg0 : i32
    %mul3A_1 = arith.constant 64 : i32
    %mul3A_2 = arith.muli %add3A, %mul3A_1 : i32
    "tpu.region"() ({
      %run_scoped3A = tpu.sem_alloc : memref<!tpu.dma_semaphore, #tpu.memory_space<semaphore_mem>>
      %dma_start3A_129 = tpu.memref_slice %arg3[%mul3A_2] : memref<2048xi32, #tpu.memory_space<hbm>> -> memref<64xi32, #tpu.memory_space<hbm>>
      %dma_start3A_130 = tpu.memref_slice %arg3[%mul3A_2] : memref<2048xi32, #tpu.memory_space<hbm>> -> memref<64xi32, #tpu.memory_space<hbm>>
      tpu.enqueue_dma source(%dma_start3A_130 : memref<64xi32, #tpu.memory_space<hbm>>) target(%arg5 : memref<64xi32, #tpu.memory_space<vmem>>) target_semaphore(%run_scoped3A : memref<!tpu.dma_semaphore, #tpu.memory_space<semaphore_mem>>)
      %dma_wait3A_131 = tpu.memref_slice %arg3[%mul3A_2] : memref<2048xi32, #tpu.memory_space<hbm>> -> memref<64xi32, #tpu.memory_space<hbm>>
      %dma_wait3A_132 = tpu.memref_slice %arg3[%mul3A_2] : memref<2048xi32, #tpu.memory_space<hbm>> -> memref<64xi32, #tpu.memory_space<hbm>>
      tpu.wait_dma2 semaphore(%run_scoped3A : memref<!tpu.dma_semaphore, #tpu.memory_space<semaphore_mem>>) src(%dma_wait3A_132 : memref<64xi32, #tpu.memory_space<hbm>>) dst(%arg5 : memref<64xi32, #tpu.memory_space<vmem>>)
      tpu.yield
    }) : () -> ()
    %dma_start3A = arith.constant 0 : i32
    %dma_start3A_3 = arith.constant 0 : i32
    %dma_start3A_4 = tpu.memref_slice %arg6[%dma_start3A, %dma_start3A_3] : memref<64x128xf32, #tpu.memory_space<vmem>> -> memref<8x128xf32, #tpu.memory_space<vmem>>
    %dma_start3A_5 = arith.constant 0 : i32
    %dma_start3A_6 = tpu.memref_slice %arg5[%dma_start3A_5] : memref<64xi32, #tpu.memory_space<vmem>> -> memref<8xi32, #tpu.memory_space<vmem>>
    %dma_start3A_7 = arith.constant 0 : i32
    %dma_start3A_8 = arith.constant 0 : i32
    %dma_start3A_9 = tpu.memref_slice %arg2[%dma_start3A_7, %dma_start3A_8] : memref<3584x128xf32, #tpu.memory_space<hbm>> -> memref<3584x128xf32, #tpu.memory_space<hbm>>
    tpu.enqueue_indirect_dma source(%dma_start3A_9 : memref<3584x128xf32, #tpu.memory_space<hbm>>) target(%dma_start3A_4 : memref<8x128xf32, #tpu.memory_space<vmem>>) offsets(%dma_start3A_6 : memref<8xi32, #tpu.memory_space<vmem>>) semaphore(%arg7 : memref<!tpu.dma_semaphore, #tpu.memory_space<semaphore_mem>>)
    %dma_start3A_10 = arith.constant 8 : i32
    %dma_start3A_11 = arith.constant 0 : i32
    %dma_start3A_12 = tpu.memref_slice %arg6[%dma_start3A_10, %dma_start3A_11] : memref<64x128xf32, #tpu.memory_space<vmem>> -> memref<8x128xf32, #tpu.memory_space<vmem>>
    %dma_start3A_13 = arith.constant 8 : i32
    %dma_start3A_14 = tpu.memref_slice %arg5[%dma_start3A_13] : memref<64xi32, #tpu.memory_space<vmem>> -> memref<8xi32, #tpu.memory_space<vmem>>
    %dma_start3A_15 = arith.constant 0 : i32
    %dma_start3A_16 = arith.constant 0 : i32
    %dma_start3A_17 = tpu.memref_slice %arg2[%dma_start3A_15, %dma_start3A_16] : memref<3584x128xf32, #tpu.memory_space<hbm>> -> memref<3584x128xf32, #tpu.memory_space<hbm>>
    tpu.enqueue_indirect_dma source(%dma_start3A_17 : memref<3584x128xf32, #tpu.memory_space<hbm>>) target(%dma_start3A_12 : memref<8x128xf32, #tpu.memory_space<vmem>>) offsets(%dma_start3A_14 : memref<8xi32, #tpu.memory_space<vmem>>) semaphore(%arg7 : memref<!tpu.dma_semaphore, #tpu.memory_space<semaphore_mem>>)
    %dma_start3A_18 = arith.constant 16 : i32
    %dma_start3A_19 = arith.constant 0 : i32
    %dma_start3A_20 = tpu.memref_slice %arg6[%dma_start3A_18, %dma_start3A_19] : memref<64x128xf32, #tpu.memory_space<vmem>> -> memref<8x128xf32, #tpu.memory_space<vmem>>
    %dma_start3A_21 = arith.constant 16 : i32
    %dma_start3A_22 = tpu.memref_slice %arg5[%dma_start3A_21] : memref<64xi32, #tpu.memory_space<vmem>> -> memref<8xi32, #tpu.memory_space<vmem>>
    %dma_start3A_23 = arith.constant 0 : i32
    %dma_start3A_24 = arith.constant 0 : i32
    %dma_start3A_25 = tpu.memref_slice %arg2[%dma_start3A_23, %dma_start3A_24] : memref<3584x128xf32, #tpu.memory_space<hbm>> -> memref<3584x128xf32, #tpu.memory_space<hbm>>
    tpu.enqueue_indirect_dma source(%dma_start3A_25 : memref<3584x128xf32, #tpu.memory_space<hbm>>) target(%dma_start3A_20 : memref<8x128xf32, #tpu.memory_space<vmem>>) offsets(%dma_start3A_22 : memref<8xi32, #tpu.memory_space<vmem>>) semaphore(%arg7 : memref<!tpu.dma_semaphore, #tpu.memory_space<semaphore_mem>>)
    %dma_start3A_26 = arith.constant 24 : i32
    %dma_start3A_27 = arith.constant 0 : i32
    %dma_start3A_28 = tpu.memref_slice %arg6[%dma_start3A_26, %dma_start3A_27] : memref<64x128xf32, #tpu.memory_space<vmem>> -> memref<8x128xf32, #tpu.memory_space<vmem>>
    %dma_start3A_29 = arith.constant 24 : i32
    %dma_start3A_30 = tpu.memref_slice %arg5[%dma_start3A_29] : memref<64xi32, #tpu.memory_space<vmem>> -> memref<8xi32, #tpu.memory_space<vmem>>
    %dma_start3A_31 = arith.constant 0 : i32
    %dma_start3A_32 = arith.constant 0 : i32
    %dma_start3A_33 = tpu.memref_slice %arg2[%dma_start3A_31, %dma_start3A_32] : memref<3584x128xf32, #tpu.memory_space<hbm>> -> memref<3584x128xf32, #tpu.memory_space<hbm>>
    tpu.enqueue_indirect_dma source(%dma_start3A_33 : memref<3584x128xf32, #tpu.memory_space<hbm>>) target(%dma_start3A_28 : memref<8x128xf32, #tpu.memory_space<vmem>>) offsets(%dma_start3A_30 : memref<8xi32, #tpu.memory_space<vmem>>) semaphore(%arg7 : memref<!tpu.dma_semaphore, #tpu.memory_space<semaphore_mem>>)
    %dma_start3A_34 = arith.constant 32 : i32
    %dma_start3A_35 = arith.constant 0 : i32
    %dma_start3A_36 = tpu.memref_slice %arg6[%dma_start3A_34, %dma_start3A_35] : memref<64x128xf32, #tpu.memory_space<vmem>> -> memref<8x128xf32, #tpu.memory_space<vmem>>
    %dma_start3A_37 = arith.constant 32 : i32
    %dma_start3A_38 = tpu.memref_slice %arg5[%dma_start3A_37] : memref<64xi32, #tpu.memory_space<vmem>> -> memref<8xi32, #tpu.memory_space<vmem>>
    %dma_start3A_39 = arith.constant 0 : i32
    %dma_start3A_40 = arith.constant 0 : i32
    %dma_start3A_41 = tpu.memref_slice %arg2[%dma_start3A_39, %dma_start3A_40] : memref<3584x128xf32, #tpu.memory_space<hbm>> -> memref<3584x128xf32, #tpu.memory_space<hbm>>
    tpu.enqueue_indirect_dma source(%dma_start3A_41 : memref<3584x128xf32, #tpu.memory_space<hbm>>) target(%dma_start3A_36 : memref<8x128xf32, #tpu.memory_space<vmem>>) offsets(%dma_start3A_38 : memref<8xi32, #tpu.memory_space<vmem>>) semaphore(%arg7 : memref<!tpu.dma_semaphore, #tpu.memory_space<semaphore_mem>>)
    %dma_start3A_42 = arith.constant 40 : i32
    %dma_start3A_43 = arith.constant 0 : i32
    %dma_start3A_44 = tpu.memref_slice %arg6[%dma_start3A_42, %dma_start3A_43] : memref<64x128xf32, #tpu.memory_space<vmem>> -> memref<8x128xf32, #tpu.memory_space<vmem>>
    %dma_start3A_45 = arith.constant 40 : i32
    %dma_start3A_46 = tpu.memref_slice %arg5[%dma_start3A_45] : memref<64xi32, #tpu.memory_space<vmem>> -> memref<8xi32, #tpu.memory_space<vmem>>
    %dma_start3A_47 = arith.constant 0 : i32
    %dma_start3A_48 = arith.constant 0 : i32
    %dma_start3A_49 = tpu.memref_slice %arg2[%dma_start3A_47, %dma_start3A_48] : memref<3584x128xf32, #tpu.memory_space<hbm>> -> memref<3584x128xf32, #tpu.memory_space<hbm>>
    tpu.enqueue_indirect_dma source(%dma_start3A_49 : memref<3584x128xf32, #tpu.memory_space<hbm>>) target(%dma_start3A_44 : memref<8x128xf32, #tpu.memory_space<vmem>>) offsets(%dma_start3A_46 : memref<8xi32, #tpu.memory_space<vmem>>) semaphore(%arg7 : memref<!tpu.dma_semaphore, #tpu.memory_space<semaphore_mem>>)
    %dma_start3A_50 = arith.constant 48 : i32
    %dma_start3A_51 = arith.constant 0 : i32
    %dma_start3A_52 = tpu.memref_slice %arg6[%dma_start3A_50, %dma_start3A_51] : memref<64x128xf32, #tpu.memory_space<vmem>> -> memref<8x128xf32, #tpu.memory_space<vmem>>
    %dma_start3A_53 = arith.constant 48 : i32
    %dma_start3A_54 = tpu.memref_slice %arg5[%dma_start3A_53] : memref<64xi32, #tpu.memory_space<vmem>> -> memref<8xi32, #tpu.memory_space<vmem>>
    %dma_start3A_55 = arith.constant 0 : i32
    %dma_start3A_56 = arith.constant 0 : i32
    %dma_start3A_57 = tpu.memref_slice %arg2[%dma_start3A_55, %dma_start3A_56] : memref<3584x128xf32, #tpu.memory_space<hbm>> -> memref<3584x128xf32, #tpu.memory_space<hbm>>
    tpu.enqueue_indirect_dma source(%dma_start3A_57 : memref<3584x128xf32, #tpu.memory_space<hbm>>) target(%dma_start3A_52 : memref<8x128xf32, #tpu.memory_space<vmem>>) offsets(%dma_start3A_54 : memref<8xi32, #tpu.memory_space<vmem>>) semaphore(%arg7 : memref<!tpu.dma_semaphore, #tpu.memory_space<semaphore_mem>>)
    %dma_start3A_58 = arith.constant 56 : i32
    %dma_start3A_59 = arith.constant 0 : i32
    %dma_start3A_60 = tpu.memref_slice %arg6[%dma_start3A_58, %dma_start3A_59] : memref<64x128xf32, #tpu.memory_space<vmem>> -> memref<8x128xf32, #tpu.memory_space<vmem>>
    %dma_start3A_61 = arith.constant 56 : i32
    %dma_start3A_62 = tpu.memref_slice %arg5[%dma_start3A_61] : memref<64xi32, #tpu.memory_space<vmem>> -> memref<8xi32, #tpu.memory_space<vmem>>
    %dma_start3A_63 = arith.constant 0 : i32
    %dma_start3A_64 = arith.constant 0 : i32
    %dma_start3A_65 = tpu.memref_slice %arg2[%dma_start3A_63, %dma_start3A_64] : memref<3584x128xf32, #tpu.memory_space<hbm>> -> memref<3584x128xf32, #tpu.memory_space<hbm>>
    tpu.enqueue_indirect_dma source(%dma_start3A_65 : memref<3584x128xf32, #tpu.memory_space<hbm>>) target(%dma_start3A_60 : memref<8x128xf32, #tpu.memory_space<vmem>>) offsets(%dma_start3A_62 : memref<8xi32, #tpu.memory_space<vmem>>) semaphore(%arg7 : memref<!tpu.dma_semaphore, #tpu.memory_space<semaphore_mem>>)
    %dma_wait3A = arith.constant 0 : i32
    %dma_wait3A_66 = arith.constant 0 : i32
    %dma_wait3A_67 = tpu.memref_slice %arg6[%dma_wait3A, %dma_wait3A_66] : memref<64x128xf32, #tpu.memory_space<vmem>> -> memref<8x128xf32, #tpu.memory_space<vmem>>
    %dma_wait3A_68 = arith.constant 0 : i32
    %dma_wait3A_69 = tpu.memref_slice %arg5[%dma_wait3A_68] : memref<64xi32, #tpu.memory_space<vmem>> -> memref<8xi32, #tpu.memory_space<vmem>>
    %dma_wait3A_70 = arith.constant 0 : i32
    %dma_wait3A_71 = arith.constant 0 : i32
    %dma_wait3A_72 = tpu.memref_slice %arg2[%dma_wait3A_70, %dma_wait3A_71] : memref<3584x128xf32, #tpu.memory_space<hbm>> -> memref<3584x128xf32, #tpu.memory_space<hbm>>
    tpu.wait_indirect_dma semaphore(%arg7 : memref<!tpu.dma_semaphore, #tpu.memory_space<semaphore_mem>>) src(%dma_wait3A_72 : memref<3584x128xf32, #tpu.memory_space<hbm>>) dst(%dma_wait3A_67 : memref<8x128xf32, #tpu.memory_space<vmem>>)
    %dma_wait3A_73 = arith.constant 8 : i32
    %dma_wait3A_74 = arith.constant 0 : i32
    %dma_wait3A_75 = tpu.memref_slice %arg6[%dma_wait3A_73, %dma_wait3A_74] : memref<64x128xf32, #tpu.memory_space<vmem>> -> memref<8x128xf32, #tpu.memory_space<vmem>>
    %dma_wait3A_76 = arith.constant 8 : i32
    %dma_wait3A_77 = tpu.memref_slice %arg5[%dma_wait3A_76] : memref<64xi32, #tpu.memory_space<vmem>> -> memref<8xi32, #tpu.memory_space<vmem>>
    %dma_wait3A_78 = arith.constant 0 : i32
    %dma_wait3A_79 = arith.constant 0 : i32
    %dma_wait3A_80 = tpu.memref_slice %arg2[%dma_wait3A_78, %dma_wait3A_79] : memref<3584x128xf32, #tpu.memory_space<hbm>> -> memref<3584x128xf32, #tpu.memory_space<hbm>>
    tpu.wait_indirect_dma semaphore(%arg7 : memref<!tpu.dma_semaphore, #tpu.memory_space<semaphore_mem>>) src(%dma_wait3A_80 : memref<3584x128xf32, #tpu.memory_space<hbm>>) dst(%dma_wait3A_75 : memref<8x128xf32, #tpu.memory_space<vmem>>)
    %dma_wait3A_81 = arith.constant 16 : i32
    %dma_wait3A_82 = arith.constant 0 : i32
    %dma_wait3A_83 = tpu.memref_slice %arg6[%dma_wait3A_81, %dma_wait3A_82] : memref<64x128xf32, #tpu.memory_space<vmem>> -> memref<8x128xf32, #tpu.memory_space<vmem>>
    %dma_wait3A_84 = arith.constant 16 : i32
    %dma_wait3A_85 = tpu.memref_slice %arg5[%dma_wait3A_84] : memref<64xi32, #tpu.memory_space<vmem>> -> memref<8xi32, #tpu.memory_space<vmem>>
    %dma_wait3A_86 = arith.constant 0 : i32
    %dma_wait3A_87 = arith.constant 0 : i32
    %dma_wait3A_88 = tpu.memref_slice %arg2[%dma_wait3A_86, %dma_wait3A_87] : memref<3584x128xf32, #tpu.memory_space<hbm>> -> memref<3584x128xf32, #tpu.memory_space<hbm>>
    tpu.wait_indirect_dma semaphore(%arg7 : memref<!tpu.dma_semaphore, #tpu.memory_space<semaphore_mem>>) src(%dma_wait3A_88 : memref<3584x128xf32, #tpu.memory_space<hbm>>) dst(%dma_wait3A_83 : memref<8x128xf32, #tpu.memory_space<vmem>>)
    %dma_wait3A_89 = arith.constant 24 : i32
    %dma_wait3A_90 = arith.constant 0 : i32
    %dma_wait3A_91 = tpu.memref_slice %arg6[%dma_wait3A_89, %dma_wait3A_90] : memref<64x128xf32, #tpu.memory_space<vmem>> -> memref<8x128xf32, #tpu.memory_space<vmem>>
    %dma_wait3A_92 = arith.constant 24 : i32
    %dma_wait3A_93 = tpu.memref_slice %arg5[%dma_wait3A_92] : memref<64xi32, #tpu.memory_space<vmem>> -> memref<8xi32, #tpu.memory_space<vmem>>
    %dma_wait3A_94 = arith.constant 0 : i32
    %dma_wait3A_95 = arith.constant 0 : i32
    %dma_wait3A_96 = tpu.memref_slice %arg2[%dma_wait3A_94, %dma_wait3A_95] : memref<3584x128xf32, #tpu.memory_space<hbm>> -> memref<3584x128xf32, #tpu.memory_space<hbm>>
    tpu.wait_indirect_dma semaphore(%arg7 : memref<!tpu.dma_semaphore, #tpu.memory_space<semaphore_mem>>) src(%dma_wait3A_96 : memref<3584x128xf32, #tpu.memory_space<hbm>>) dst(%dma_wait3A_91 : memref<8x128xf32, #tpu.memory_space<vmem>>)
    %dma_wait3A_97 = arith.constant 32 : i32
    %dma_wait3A_98 = arith.constant 0 : i32
    %dma_wait3A_99 = tpu.memref_slice %arg6[%dma_wait3A_97, %dma_wait3A_98] : memref<64x128xf32, #tpu.memory_space<vmem>> -> memref<8x128xf32, #tpu.memory_space<vmem>>
    %dma_wait3A_100 = arith.constant 32 : i32
    %dma_wait3A_101 = tpu.memref_slice %arg5[%dma_wait3A_100] : memref<64xi32, #tpu.memory_space<vmem>> -> memref<8xi32, #tpu.memory_space<vmem>>
    %dma_wait3A_102 = arith.constant 0 : i32
    %dma_wait3A_103 = arith.constant 0 : i32
    %dma_wait3A_104 = tpu.memref_slice %arg2[%dma_wait3A_102, %dma_wait3A_103] : memref<3584x128xf32, #tpu.memory_space<hbm>> -> memref<3584x128xf32, #tpu.memory_space<hbm>>
    tpu.wait_indirect_dma semaphore(%arg7 : memref<!tpu.dma_semaphore, #tpu.memory_space<semaphore_mem>>) src(%dma_wait3A_104 : memref<3584x128xf32, #tpu.memory_space<hbm>>) dst(%dma_wait3A_99 : memref<8x128xf32, #tpu.memory_space<vmem>>)
    %dma_wait3A_105 = arith.constant 40 : i32
    %dma_wait3A_106 = arith.constant 0 : i32
    %dma_wait3A_107 = tpu.memref_slice %arg6[%dma_wait3A_105, %dma_wait3A_106] : memref<64x128xf32, #tpu.memory_space<vmem>> -> memref<8x128xf32, #tpu.memory_space<vmem>>
    %dma_wait3A_108 = arith.constant 40 : i32
    %dma_wait3A_109 = tpu.memref_slice %arg5[%dma_wait3A_108] : memref<64xi32, #tpu.memory_space<vmem>> -> memref<8xi32, #tpu.memory_space<vmem>>
    %dma_wait3A_110 = arith.constant 0 : i32
    %dma_wait3A_111 = arith.constant 0 : i32
    %dma_wait3A_112 = tpu.memref_slice %arg2[%dma_wait3A_110, %dma_wait3A_111] : memref<3584x128xf32, #tpu.memory_space<hbm>> -> memref<3584x128xf32, #tpu.memory_space<hbm>>
    tpu.wait_indirect_dma semaphore(%arg7 : memref<!tpu.dma_semaphore, #tpu.memory_space<semaphore_mem>>) src(%dma_wait3A_112 : memref<3584x128xf32, #tpu.memory_space<hbm>>) dst(%dma_wait3A_107 : memref<8x128xf32, #tpu.memory_space<vmem>>)
    %dma_wait3A_113 = arith.constant 48 : i32
    %dma_wait3A_114 = arith.constant 0 : i32
    %dma_wait3A_115 = tpu.memref_slice %arg6[%dma_wait3A_113, %dma_wait3A_114] : memref<64x128xf32, #tpu.memory_space<vmem>> -> memref<8x128xf32, #tpu.memory_space<vmem>>
    %dma_wait3A_116 = arith.constant 48 : i32
    %dma_wait3A_117 = tpu.memref_slice %arg5[%dma_wait3A_116] : memref<64xi32, #tpu.memory_space<vmem>> -> memref<8xi32, #tpu.memory_space<vmem>>
    %dma_wait3A_118 = arith.constant 0 : i32
    %dma_wait3A_119 = arith.constant 0 : i32
    %dma_wait3A_120 = tpu.memref_slice %arg2[%dma_wait3A_118, %dma_wait3A_119] : memref<3584x128xf32, #tpu.memory_space<hbm>> -> memref<3584x128xf32, #tpu.memory_space<hbm>>
    tpu.wait_indirect_dma semaphore(%arg7 : memref<!tpu.dma_semaphore, #tpu.memory_space<semaphore_mem>>) src(%dma_wait3A_120 : memref<3584x128xf32, #tpu.memory_space<hbm>>) dst(%dma_wait3A_115 : memref<8x128xf32, #tpu.memory_space<vmem>>)
    %dma_wait3A_121 = arith.constant 56 : i32
    %dma_wait3A_122 = arith.constant 0 : i32
    %dma_wait3A_123 = tpu.memref_slice %arg6[%dma_wait3A_121, %dma_wait3A_122] : memref<64x128xf32, #tpu.memory_space<vmem>> -> memref<8x128xf32, #tpu.memory_space<vmem>>
    %dma_wait3A_124 = arith.constant 56 : i32
    %dma_wait3A_125 = tpu.memref_slice %arg5[%dma_wait3A_124] : memref<64xi32, #tpu.memory_space<vmem>> -> memref<8xi32, #tpu.memory_space<vmem>>
    %dma_wait3A_126 = arith.constant 0 : i32
    %dma_wait3A_127 = arith.constant 0 : i32
    %dma_wait3A_128 = tpu.memref_slice %arg2[%dma_wait3A_126, %dma_wait3A_127] : memref<3584x128xf32, #tpu.memory_space<hbm>> -> memref<3584x128xf32, #tpu.memory_space<hbm>>
    tpu.wait_indirect_dma semaphore(%arg7 : memref<!tpu.dma_semaphore, #tpu.memory_space<semaphore_mem>>) src(%dma_wait3A_128 : memref<3584x128xf32, #tpu.memory_space<hbm>>) dst(%dma_wait3A_123 : memref<8x128xf32, #tpu.memory_space<vmem>>)
    "tpu.region"() ({
      %run_scoped3A = tpu.sem_alloc : memref<!tpu.dma_semaphore, #tpu.memory_space<semaphore_mem>>
      %dma_start3A_129 = arith.constant 0 : i32
      %dma_start3A_130 = tpu.memref_slice %arg4[%mul3A_2, %dma_start3A_129] : memref<2048x128xf32, #tpu.memory_space<hbm>> -> memref<64x128xf32, #tpu.memory_space<hbm>>
      %dma_start3A_131 = arith.constant 0 : i32
      %dma_start3A_132 = tpu.memref_slice %arg4[%mul3A_2, %dma_start3A_131] : memref<2048x128xf32, #tpu.memory_space<hbm>> -> memref<64x128xf32, #tpu.memory_space<hbm>>
      tpu.enqueue_dma source(%arg6 : memref<64x128xf32, #tpu.memory_space<vmem>>) target(%dma_start3A_132 : memref<64x128xf32, #tpu.memory_space<hbm>>) target_semaphore(%run_scoped3A : memref<!tpu.dma_semaphore, #tpu.memory_space<semaphore_mem>>)
      %dma_wait3A_133 = arith.constant 0 : i32
      %dma_wait3A_134 = tpu.memref_slice %arg4[%mul3A_2, %dma_wait3A_133] : memref<2048x128xf32, #tpu.memory_space<hbm>> -> memref<64x128xf32, #tpu.memory_space<hbm>>
      %dma_wait3A_135 = arith.constant 0 : i32
      %dma_wait3A_136 = tpu.memref_slice %arg4[%mul3A_2, %dma_wait3A_135] : memref<2048x128xf32, #tpu.memory_space<hbm>> -> memref<64x128xf32, #tpu.memory_space<hbm>>
      tpu.wait_dma2 semaphore(%run_scoped3A : memref<!tpu.dma_semaphore, #tpu.memory_space<semaphore_mem>>) src(%arg6 : memref<64x128xf32, #tpu.memory_space<vmem>>) dst(%dma_wait3A_136 : memref<64x128xf32, #tpu.memory_space<hbm>>)
      tpu.yield
    }) : () -> ()
    return
  }
}

module attributes {stable_mosaic.version = 14 : i64} {
  func.func @_mlp_body(%arg0: i32, %arg1: memref<28xi32, #tpu.memory_space<smem>>, %arg2: memref<1x2048xi32, #tpu.memory_space<vmem>>, %arg3: memref<2048x512xf32, #tpu.memory_space<vmem>>, %arg4: memref<1x512x512xf32, #tpu.memory_space<vmem>>, %arg5: memref<1x512x512xf32, #tpu.memory_space<vmem>>, %arg6: memref<1x512x32xf32, #tpu.memory_space<vmem>>, %arg7: memref<15x512xf32, #tpu.memory_space<vmem>>, %arg8: memref<15x512xf32, #tpu.memory_space<vmem>>, %arg9: memref<15x32xf32, #tpu.memory_space<vmem>>, %arg10: memref<512x512xf32, #tpu.memory_space<vmem>>, %arg11: memref<1x512xf32, #tpu.memory_space<vmem>>, %arg12: memref<512x512xf32, #tpu.memory_space<vmem>>, %arg13: memref<1x512xf32, #tpu.memory_space<vmem>>, %arg14: memref<512x1xf32, #tpu.memory_space<vmem>>, %arg15: memref<1x1xf32, #tpu.memory_space<vmem>>, %arg16: memref<128x128xf32, #tpu.memory_space<vmem>>, %arg17: memref<128x1xf32, #tpu.memory_space<vmem>>) attributes {dimension_semantics = [#tpu.dimension_semantics<arbitrary>], iteration_bounds = array<i64: 28>, scalar_prefetch = 1 : i64, scratch_operands = 0 : i64, tpu.core_type = #tpu.core_type<tc>, window_params = [{pipeline_mode = #tpu.pipeline_mode<synchronous>, transform_indices = @transform_0, window_bounds = array<i64: 1, 2048>}, {pipeline_mode = #tpu.pipeline_mode<synchronous>, transform_indices = @transform_1, window_bounds = array<i64: 2048, 512>}, {transform_indices = @transform_2, window_bounds = array<i64: 1, 512, 512>}, {transform_indices = @transform_3, window_bounds = array<i64: 1, 512, 512>}, {transform_indices = @transform_4, window_bounds = array<i64: 1, 512, 32>}, {pipeline_mode = #tpu.pipeline_mode<synchronous>, transform_indices = @transform_5, window_bounds = array<i64: 15, 512>}, {pipeline_mode = #tpu.pipeline_mode<synchronous>, transform_indices = @transform_6, window_bounds = array<i64: 15, 512>}, {pipeline_mode = #tpu.pipeline_mode<synchronous>, transform_indices = @transform_7, window_bounds = array<i64: 15, 32>}, {pipeline_mode = #tpu.pipeline_mode<synchronous>, transform_indices = @transform_8, window_bounds = array<i64: 512, 512>}, {pipeline_mode = #tpu.pipeline_mode<synchronous>, transform_indices = @transform_9, window_bounds = array<i64: 1, 512>}, {pipeline_mode = #tpu.pipeline_mode<synchronous>, transform_indices = @transform_10, window_bounds = array<i64: 512, 512>}, {pipeline_mode = #tpu.pipeline_mode<synchronous>, transform_indices = @transform_11, window_bounds = array<i64: 1, 512>}, {pipeline_mode = #tpu.pipeline_mode<synchronous>, transform_indices = @transform_12, window_bounds = array<i64: 512, 1>}, {pipeline_mode = #tpu.pipeline_mode<synchronous>, transform_indices = @transform_13, window_bounds = array<i64: 1, 1>}, {transform_indices = @transform_14, window_bounds = array<i64: 128, 128>}, {transform_indices = @transform_15, window_bounds = array<i64: 128, 1>}]} {
    %ge3A = arith.constant 0 : i32
    %ge3A_0 = arith.cmpi sge, %arg0, %ge3A : i32
    %lt3A = arith.constant 12 : i32
    %lt3A_1 = arith.cmpi slt, %arg0, %lt3A : i32
    %and3A = arith.andi %ge3A_0, %lt3A_1 : i1
    %convert_element_type3A = arith.extui %and3A : i1 to i32
    %cond3A = arith.constant 0 : i32
    %cond3A_2 = arith.cmpi ne, %convert_element_type3A, %cond3A : i32
    scf.if %cond3A_2 {
      %get3A = arith.index_cast %arg0 : i32 to index
      %get3A_24 = memref.load %arg1[%get3A] : memref<28xi32, #tpu.memory_space<smem>>
      %get3A_25 = arith.constant 0 : index
      %get3A_26 = arith.constant 0 : index
      %get3A_27 = vector.load %arg2[%get3A_25, %get3A_26] : memref<1x2048xi32, #tpu.memory_space<vmem>>, vector<1x1024xi32>
      %mul3A = arith.constant 128 : i32
      %mul3A_28 = arith.muli %arg0, %mul3A : i32
      %sub3A = vector.broadcast %mul3A_28 : i32 to vector<1x1024xi32>
      %sub3A_29 = arith.subi %get3A_27, %sub3A : vector<1x1024xi32>
      %iota3A = tpu.iota {dimensions = array<i32: 0>} : vector<128x1024xi32>
      %eq3A = vector.broadcast %sub3A_29 : vector<1x1024xi32> to vector<128x1024xi32>
      %eq3A_30 = arith.cmpi eq, %iota3A, %eq3A : vector<128x1024xi32>
      %convert_element_type3A_31 = arith.extui %eq3A_30 : vector<128x1024xi1> to vector<128x1024xi32>
      %convert_element_type3A_32 = arith.sitofp %convert_element_type3A_31 : vector<128x1024xi32> to vector<128x1024xf32>
      %get3A_33 = arith.constant 0 : index
      %get3A_34 = arith.constant 0 : index
      %get3A_35 = vector.load %arg3[%get3A_33, %get3A_34] : memref<2048x512xf32, #tpu.memory_space<vmem>>, vector<1024x512xf32>
      %dot_general3A = arith.constant dense<0.000000e+00> : vector<128x512xf32>
      %dot_general3A_36 = tpu.matmul %convert_element_type3A_32, %get3A_35, %dot_general3A {dimension_numbers = #tpu.dot_dimension_numbers<[1], [0], [0], [1], [0, 0, 1, 1], [], []>, transpose_lhs_hint = false} : vector<128x1024xf32>, vector<1024x512xf32>, vector<128x512xf32> -> vector<128x512xf32>
      %get3A_37 = arith.index_cast %get3A_24 : i32 to index
      %get3A_38 = arith.constant 0 : index
      %get3A_39 = vector.load %arg7[%get3A_37, %get3A_38] : memref<15x512xf32, #tpu.memory_space<vmem>>, vector<1x512xf32>
      %get3A_40 = arith.index_cast %get3A_24 : i32 to index
      %get3A_41 = arith.constant 0 : index
      %get3A_42 = vector.load %arg8[%get3A_40, %get3A_41] : memref<15x512xf32, #tpu.memory_space<vmem>>, vector<1x512xf32>
      %get3A_43 = arith.index_cast %get3A_24 : i32 to index
      %get3A_44 = arith.constant 0 : index
      %get3A_45 = vector.load %arg9[%get3A_43, %get3A_44] : memref<15x32xf32, #tpu.memory_space<vmem>>, vector<1x32xf32>
      %get3A_46 = arith.constant 0 : index
      %get3A_47 = arith.constant 0 : index
      %get3A_48 = arith.constant 0 : index
      %get3A_49 = vector.load %arg4[%get3A_46, %get3A_47, %get3A_48] : memref<1x512x512xf32, #tpu.memory_space<vmem>>, vector<1x512x512xf32>
      %get3A_50 = vector.shape_cast %get3A_49 : vector<1x512x512xf32> to vector<512x512xf32>
      %dot_general3A_51 = arith.constant dense<0.000000e+00> : vector<128x512xf32>
      %dot_general3A_52 = tpu.matmul %dot_general3A_36, %get3A_50, %dot_general3A_51 {dimension_numbers = #tpu.dot_dimension_numbers<[1], [0], [0], [1], [0, 0, 1, 1], [], []>, transpose_lhs_hint = false} : vector<128x512xf32>, vector<512x512xf32>, vector<128x512xf32> -> vector<128x512xf32>
      %add3A = vector.broadcast %get3A_39 : vector<1x512xf32> to vector<128x512xf32>
      %add3A_53 = arith.addf %dot_general3A_52, %add3A : vector<128x512xf32>
      %max3A = arith.constant 0.000000e+00 : f32
      %max3A_54 = vector.broadcast %max3A : f32 to vector<128x512xf32>
      %max3A_55 = arith.maximumf %add3A_53, %max3A_54 : vector<128x512xf32>
      %get3A_56 = arith.constant 0 : index
      %get3A_57 = arith.constant 0 : index
      %get3A_58 = arith.constant 0 : index
      %get3A_59 = vector.load %arg5[%get3A_56, %get3A_57, %get3A_58] : memref<1x512x512xf32, #tpu.memory_space<vmem>>, vector<1x512x512xf32>
      %get3A_60 = vector.shape_cast %get3A_59 : vector<1x512x512xf32> to vector<512x512xf32>
      %dot_general3A_61 = arith.constant dense<0.000000e+00> : vector<128x512xf32>
      %dot_general3A_62 = tpu.matmul %max3A_55, %get3A_60, %dot_general3A_61 {dimension_numbers = #tpu.dot_dimension_numbers<[1], [0], [0], [1], [0, 0, 1, 1], [], []>, transpose_lhs_hint = false} : vector<128x512xf32>, vector<512x512xf32>, vector<128x512xf32> -> vector<128x512xf32>
      %add3A_63 = vector.broadcast %get3A_42 : vector<1x512xf32> to vector<128x512xf32>
      %add3A_64 = arith.addf %dot_general3A_62, %add3A_63 : vector<128x512xf32>
      %max3A_65 = arith.constant 0.000000e+00 : f32
      %max3A_66 = vector.broadcast %max3A_65 : f32 to vector<128x512xf32>
      %max3A_67 = arith.maximumf %add3A_64, %max3A_66 : vector<128x512xf32>
      %get3A_68 = arith.constant 0 : index
      %get3A_69 = arith.constant 0 : index
      %get3A_70 = arith.constant 0 : index
      %get3A_71 = vector.load %arg6[%get3A_68, %get3A_69, %get3A_70] : memref<1x512x32xf32, #tpu.memory_space<vmem>>, vector<1x512x32xf32>
      %get3A_72 = vector.shape_cast %get3A_71 : vector<1x512x32xf32> to vector<512x32xf32>
      %dot_general3A_73 = arith.constant dense<0.000000e+00> : vector<128x32xf32>
      %dot_general3A_74 = tpu.matmul %max3A_67, %get3A_72, %dot_general3A_73 {dimension_numbers = #tpu.dot_dimension_numbers<[1], [0], [0], [1], [0, 0, 1, 1], [], []>, transpose_lhs_hint = false} : vector<128x512xf32>, vector<512x32xf32>, vector<128x32xf32> -> vector<128x32xf32>
      %add3A_75 = vector.broadcast %get3A_45 : vector<1x32xf32> to vector<128x32xf32>
      %add3A_76 = arith.addf %dot_general3A_74, %add3A_75 : vector<128x32xf32>
      %broadcast_in_dim3A = arith.constant 0.000000e+00 : f32
      %broadcast_in_dim3A_77 = vector.broadcast %broadcast_in_dim3A : f32 to vector<128x96xf32>
      %concatenate3A = tpu.concatenate %add3A_76, %broadcast_in_dim3A_77 in 1 : vector<128x32xf32>, vector<128x96xf32> -> vector<128x128xf32>
      %swap3A = arith.constant 0 : index
      %swap3A_78 = arith.constant 0 : index
      %swap3A_79 = vector.load %arg16[%swap3A, %swap3A_78] : memref<128x128xf32, #tpu.memory_space<vmem>>, vector<128x128xf32>
      tpu.vector_store %arg16[%swap3A, %swap3A_78], %concatenate3A {strides = array<i32>} : memref<128x128xf32, #tpu.memory_space<vmem>>, vector<128x128xf32>,
    } else {
    }
    %ge3A_3 = arith.constant 12 : i32
    %ge3A_4 = arith.cmpi sge, %arg0, %ge3A_3 : i32
    %lt3A_5 = arith.constant 20 : i32
    %lt3A_6 = arith.cmpi slt, %arg0, %lt3A_5 : i32
    %and3A_7 = arith.andi %ge3A_4, %lt3A_6 : i1
    %convert_element_type3A_8 = arith.extui %and3A_7 : i1 to i32
    %cond3A_9 = arith.constant 0 : i32
    %cond3A_10 = arith.cmpi ne, %convert_element_type3A_8, %cond3A_9 : i32
    scf.if %cond3A_10 {
      %get3A = arith.index_cast %arg0 : i32 to index
      %get3A_24 = memref.load %arg1[%get3A] : memref<28xi32, #tpu.memory_space<smem>>
      %get3A_25 = arith.constant 0 : index
      %get3A_26 = arith.constant 1024 : index
      %get3A_27 = vector.load %arg2[%get3A_25, %get3A_26] : memref<1x2048xi32, #tpu.memory_space<vmem>>, vector<1x512xi32>
      %mul3A = arith.constant 128 : i32
      %mul3A_28 = arith.muli %arg0, %mul3A : i32
      %sub3A = vector.broadcast %mul3A_28 : i32 to vector<1x512xi32>
      %sub3A_29 = arith.subi %get3A_27, %sub3A : vector<1x512xi32>
      %iota3A = tpu.iota {dimensions = array<i32: 0>} : vector<128x512xi32>
      %eq3A = vector.broadcast %sub3A_29 : vector<1x512xi32> to vector<128x512xi32>
      %eq3A_30 = arith.cmpi eq, %iota3A, %eq3A : vector<128x512xi32>
      %convert_element_type3A_31 = arith.extui %eq3A_30 : vector<128x512xi1> to vector<128x512xi32>
      %convert_element_type3A_32 = arith.sitofp %convert_element_type3A_31 : vector<128x512xi32> to vector<128x512xf32>
      %get3A_33 = arith.constant 1024 : index
      %get3A_34 = arith.constant 0 : index
      %get3A_35 = vector.load %arg3[%get3A_33, %get3A_34] : memref<2048x512xf32, #tpu.memory_space<vmem>>, vector<512x512xf32>
      %dot_general3A = arith.constant dense<0.000000e+00> : vector<128x512xf32>
      %dot_general3A_36 = tpu.matmul %convert_element_type3A_32, %get3A_35, %dot_general3A {dimension_numbers = #tpu.dot_dimension_numbers<[1], [0], [0], [1], [0, 0, 1, 1], [], []>, transpose_lhs_hint = false} : vector<128x512xf32>, vector<512x512xf32>, vector<128x512xf32> -> vector<128x512xf32>
      %get3A_37 = arith.index_cast %get3A_24 : i32 to index
      %get3A_38 = arith.constant 0 : index
      %get3A_39 = vector.load %arg7[%get3A_37, %get3A_38] : memref<15x512xf32, #tpu.memory_space<vmem>>, vector<1x512xf32>
      %get3A_40 = arith.index_cast %get3A_24 : i32 to index
      %get3A_41 = arith.constant 0 : index
      %get3A_42 = vector.load %arg8[%get3A_40, %get3A_41] : memref<15x512xf32, #tpu.memory_space<vmem>>, vector<1x512xf32>
      %get3A_43 = arith.index_cast %get3A_24 : i32 to index
      %get3A_44 = arith.constant 0 : index
      %get3A_45 = vector.load %arg9[%get3A_43, %get3A_44] : memref<15x32xf32, #tpu.memory_space<vmem>>, vector<1x32xf32>
      %get3A_46 = arith.constant 0 : index
      %get3A_47 = arith.constant 0 : index
      %get3A_48 = arith.constant 0 : index
      %get3A_49 = vector.load %arg4[%get3A_46, %get3A_47, %get3A_48] : memref<1x512x512xf32, #tpu.memory_space<vmem>>, vector<1x512x512xf32>
      %get3A_50 = vector.shape_cast %get3A_49 : vector<1x512x512xf32> to vector<512x512xf32>
      %dot_general3A_51 = arith.constant dense<0.000000e+00> : vector<128x512xf32>
      %dot_general3A_52 = tpu.matmul %dot_general3A_36, %get3A_50, %dot_general3A_51 {dimension_numbers = #tpu.dot_dimension_numbers<[1], [0], [0], [1], [0, 0, 1, 1], [], []>, transpose_lhs_hint = false} : vector<128x512xf32>, vector<512x512xf32>, vector<128x512xf32> -> vector<128x512xf32>
      %add3A = vector.broadcast %get3A_39 : vector<1x512xf32> to vector<128x512xf32>
      %add3A_53 = arith.addf %dot_general3A_52, %add3A : vector<128x512xf32>
      %max3A = arith.constant 0.000000e+00 : f32
      %max3A_54 = vector.broadcast %max3A : f32 to vector<128x512xf32>
      %max3A_55 = arith.maximumf %add3A_53, %max3A_54 : vector<128x512xf32>
      %get3A_56 = arith.constant 0 : index
      %get3A_57 = arith.constant 0 : index
      %get3A_58 = arith.constant 0 : index
      %get3A_59 = vector.load %arg5[%get3A_56, %get3A_57, %get3A_58] : memref<1x512x512xf32, #tpu.memory_space<vmem>>, vector<1x512x512xf32>
      %get3A_60 = vector.shape_cast %get3A_59 : vector<1x512x512xf32> to vector<512x512xf32>
      %dot_general3A_61 = arith.constant dense<0.000000e+00> : vector<128x512xf32>
      %dot_general3A_62 = tpu.matmul %max3A_55, %get3A_60, %dot_general3A_61 {dimension_numbers = #tpu.dot_dimension_numbers<[1], [0], [0], [1], [0, 0, 1, 1], [], []>, transpose_lhs_hint = false} : vector<128x512xf32>, vector<512x512xf32>, vector<128x512xf32> -> vector<128x512xf32>
      %add3A_63 = vector.broadcast %get3A_42 : vector<1x512xf32> to vector<128x512xf32>
      %add3A_64 = arith.addf %dot_general3A_62, %add3A_63 : vector<128x512xf32>
      %max3A_65 = arith.constant 0.000000e+00 : f32
      %max3A_66 = vector.broadcast %max3A_65 : f32 to vector<128x512xf32>
      %max3A_67 = arith.maximumf %add3A_64, %max3A_66 : vector<128x512xf32>
      %get3A_68 = arith.constant 0 : index
      %get3A_69 = arith.constant 0 : index
      %get3A_70 = arith.constant 0 : index
      %get3A_71 = vector.load %arg6[%get3A_68, %get3A_69, %get3A_70] : memref<1x512x32xf32, #tpu.memory_space<vmem>>, vector<1x512x32xf32>
      %get3A_72 = vector.shape_cast %get3A_71 : vector<1x512x32xf32> to vector<512x32xf32>
      %dot_general3A_73 = arith.constant dense<0.000000e+00> : vector<128x32xf32>
      %dot_general3A_74 = tpu.matmul %max3A_67, %get3A_72, %dot_general3A_73 {dimension_numbers = #tpu.dot_dimension_numbers<[1], [0], [0], [1], [0, 0, 1, 1], [], []>, transpose_lhs_hint = false} : vector<128x512xf32>, vector<512x32xf32>, vector<128x32xf32> -> vector<128x32xf32>
      %add3A_75 = vector.broadcast %get3A_45 : vector<1x32xf32> to vector<128x32xf32>
      %add3A_76 = arith.addf %dot_general3A_74, %add3A_75 : vector<128x32xf32>
      %broadcast_in_dim3A = arith.constant 0.000000e+00 : f32
      %broadcast_in_dim3A_77 = vector.broadcast %broadcast_in_dim3A : f32 to vector<128x96xf32>
      %concatenate3A = tpu.concatenate %add3A_76, %broadcast_in_dim3A_77 in 1 : vector<128x32xf32>, vector<128x96xf32> -> vector<128x128xf32>
      %swap3A = arith.constant 0 : index
      %swap3A_78 = arith.constant 0 : index
      %swap3A_79 = vector.load %arg16[%swap3A, %swap3A_78] : memref<128x128xf32, #tpu.memory_space<vmem>>, vector<128x128xf32>
      tpu.vector_store %arg16[%swap3A, %swap3A_78], %concatenate3A {strides = array<i32>} : memref<128x128xf32, #tpu.memory_space<vmem>>, vector<128x128xf32>,
    } else {
    }
    %ge3A_11 = arith.constant 20 : i32
    %ge3A_12 = arith.cmpi sge, %arg0, %ge3A_11 : i32
    %lt3A_13 = arith.constant 28 : i32
    %lt3A_14 = arith.cmpi slt, %arg0, %lt3A_13 : i32
    %and3A_15 = arith.andi %ge3A_12, %lt3A_14 : i1
    %convert_element_type3A_16 = arith.extui %and3A_15 : i1 to i32
    %cond3A_17 = arith.constant 0 : i32
    %cond3A_18 = arith.cmpi ne, %convert_element_type3A_16, %cond3A_17 : i32
    scf.if %cond3A_18 {
      %get3A = arith.index_cast %arg0 : i32 to index
      %get3A_24 = memref.load %arg1[%get3A] : memref<28xi32, #tpu.memory_space<smem>>
      %get3A_25 = arith.constant 0 : index
      %get3A_26 = arith.constant 1536 : index
      %get3A_27 = vector.load %arg2[%get3A_25, %get3A_26] : memref<1x2048xi32, #tpu.memory_space<vmem>>, vector<1x512xi32>
      %mul3A = arith.constant 128 : i32
      %mul3A_28 = arith.muli %arg0, %mul3A : i32
      %sub3A = vector.broadcast %mul3A_28 : i32 to vector<1x512xi32>
      %sub3A_29 = arith.subi %get3A_27, %sub3A : vector<1x512xi32>
      %iota3A = tpu.iota {dimensions = array<i32: 0>} : vector<128x512xi32>
      %eq3A = vector.broadcast %sub3A_29 : vector<1x512xi32> to vector<128x512xi32>
      %eq3A_30 = arith.cmpi eq, %iota3A, %eq3A : vector<128x512xi32>
      %convert_element_type3A_31 = arith.extui %eq3A_30 : vector<128x512xi1> to vector<128x512xi32>
      %convert_element_type3A_32 = arith.sitofp %convert_element_type3A_31 : vector<128x512xi32> to vector<128x512xf32>
      %get3A_33 = arith.constant 1536 : index
      %get3A_34 = arith.constant 0 : index
      %get3A_35 = vector.load %arg3[%get3A_33, %get3A_34] : memref<2048x512xf32, #tpu.memory_space<vmem>>, vector<512x512xf32>
      %dot_general3A = arith.constant dense<0.000000e+00> : vector<128x512xf32>
      %dot_general3A_36 = tpu.matmul %convert_element_type3A_32, %get3A_35, %dot_general3A {dimension_numbers = #tpu.dot_dimension_numbers<[1], [0], [0], [1], [0, 0, 1, 1], [], []>, transpose_lhs_hint = false} : vector<128x512xf32>, vector<512x512xf32>, vector<128x512xf32> -> vector<128x512xf32>
      %get3A_37 = arith.index_cast %get3A_24 : i32 to index
      %get3A_38 = arith.constant 0 : index
      %get3A_39 = vector.load %arg7[%get3A_37, %get3A_38] : memref<15x512xf32, #tpu.memory_space<vmem>>, vector<1x512xf32>
      %get3A_40 = arith.index_cast %get3A_24 : i32 to index
      %get3A_41 = arith.constant 0 : index
      %get3A_42 = vector.load %arg8[%get3A_40, %get3A_41] : memref<15x512xf32, #tpu.memory_space<vmem>>, vector<1x512xf32>
      %get3A_43 = arith.index_cast %get3A_24 : i32 to index
      %get3A_44 = arith.constant 0 : index
      %get3A_45 = vector.load %arg9[%get3A_43, %get3A_44] : memref<15x32xf32, #tpu.memory_space<vmem>>, vector<1x32xf32>
      %get3A_46 = arith.constant 0 : index
      %get3A_47 = arith.constant 0 : index
      %get3A_48 = arith.constant 0 : index
      %get3A_49 = vector.load %arg4[%get3A_46, %get3A_47, %get3A_48] : memref<1x512x512xf32, #tpu.memory_space<vmem>>, vector<1x512x512xf32>
      %get3A_50 = vector.shape_cast %get3A_49 : vector<1x512x512xf32> to vector<512x512xf32>
      %dot_general3A_51 = arith.constant dense<0.000000e+00> : vector<128x512xf32>
      %dot_general3A_52 = tpu.matmul %dot_general3A_36, %get3A_50, %dot_general3A_51 {dimension_numbers = #tpu.dot_dimension_numbers<[1], [0], [0], [1], [0, 0, 1, 1], [], []>, transpose_lhs_hint = false} : vector<128x512xf32>, vector<512x512xf32>, vector<128x512xf32> -> vector<128x512xf32>
      %add3A = vector.broadcast %get3A_39 : vector<1x512xf32> to vector<128x512xf32>
      %add3A_53 = arith.addf %dot_general3A_52, %add3A : vector<128x512xf32>
      %max3A = arith.constant 0.000000e+00 : f32
      %max3A_54 = vector.broadcast %max3A : f32 to vector<128x512xf32>
      %max3A_55 = arith.maximumf %add3A_53, %max3A_54 : vector<128x512xf32>
      %get3A_56 = arith.constant 0 : index
      %get3A_57 = arith.constant 0 : index
      %get3A_58 = arith.constant 0 : index
      %get3A_59 = vector.load %arg5[%get3A_56, %get3A_57, %get3A_58] : memref<1x512x512xf32, #tpu.memory_space<vmem>>, vector<1x512x512xf32>
      %get3A_60 = vector.shape_cast %get3A_59 : vector<1x512x512xf32> to vector<512x512xf32>
      %dot_general3A_61 = arith.constant dense<0.000000e+00> : vector<128x512xf32>
      %dot_general3A_62 = tpu.matmul %max3A_55, %get3A_60, %dot_general3A_61 {dimension_numbers = #tpu.dot_dimension_numbers<[1], [0], [0], [1], [0, 0, 1, 1], [], []>, transpose_lhs_hint = false} : vector<128x512xf32>, vector<512x512xf32>, vector<128x512xf32> -> vector<128x512xf32>
      %add3A_63 = vector.broadcast %get3A_42 : vector<1x512xf32> to vector<128x512xf32>
      %add3A_64 = arith.addf %dot_general3A_62, %add3A_63 : vector<128x512xf32>
      %max3A_65 = arith.constant 0.000000e+00 : f32
      %max3A_66 = vector.broadcast %max3A_65 : f32 to vector<128x512xf32>
      %max3A_67 = arith.maximumf %add3A_64, %max3A_66 : vector<128x512xf32>
      %get3A_68 = arith.constant 0 : index
      %get3A_69 = arith.constant 0 : index
      %get3A_70 = arith.constant 0 : index
      %get3A_71 = vector.load %arg6[%get3A_68, %get3A_69, %get3A_70] : memref<1x512x32xf32, #tpu.memory_space<vmem>>, vector<1x512x32xf32>
      %get3A_72 = vector.shape_cast %get3A_71 : vector<1x512x32xf32> to vector<512x32xf32>
      %dot_general3A_73 = arith.constant dense<0.000000e+00> : vector<128x32xf32>
      %dot_general3A_74 = tpu.matmul %max3A_67, %get3A_72, %dot_general3A_73 {dimension_numbers = #tpu.dot_dimension_numbers<[1], [0], [0], [1], [0, 0, 1, 1], [], []>, transpose_lhs_hint = false} : vector<128x512xf32>, vector<512x32xf32>, vector<128x32xf32> -> vector<128x32xf32>
      %add3A_75 = vector.broadcast %get3A_45 : vector<1x32xf32> to vector<128x32xf32>
      %add3A_76 = arith.addf %dot_general3A_74, %add3A_75 : vector<128x32xf32>
      %broadcast_in_dim3A = arith.constant 0.000000e+00 : f32
      %broadcast_in_dim3A_77 = vector.broadcast %broadcast_in_dim3A : f32 to vector<128x96xf32>
      %concatenate3A = tpu.concatenate %add3A_76, %broadcast_in_dim3A_77 in 1 : vector<128x32xf32>, vector<128x96xf32> -> vector<128x128xf32>
      %swap3A = arith.constant 0 : index
      %swap3A_78 = arith.constant 0 : index
      %swap3A_79 = vector.load %arg16[%swap3A, %swap3A_78] : memref<128x128xf32, #tpu.memory_space<vmem>>, vector<128x128xf32>
      tpu.vector_store %arg16[%swap3A, %swap3A_78], %concatenate3A {strides = array<i32>} : memref<128x128xf32, #tpu.memory_space<vmem>>, vector<128x128xf32>,
    } else {
    }
    %lt3A_19 = arith.constant 16 : i32
    %lt3A_20 = arith.cmpi slt, %arg0, %lt3A_19 : i32
    %convert_element_type3A_21 = arith.extui %lt3A_20 : i1 to i32
    %cond3A_22 = arith.constant 0 : i32
    %cond3A_23 = arith.cmpi ne, %convert_element_type3A_21, %cond3A_22 : i32
    scf.if %cond3A_23 {
      %mul3A = arith.constant 128 : i32
      %mul3A_24 = arith.muli %arg0, %mul3A : i32
      %get3A = arith.index_cast %mul3A_24 : i32 to index
      %get3A_25 = arith.constant 0 : index
      %get3A_26 = vector.load %arg3[%get3A, %get3A_25] : memref<2048x512xf32, #tpu.memory_space<vmem>>, vector<128x512xf32>
      %get3A_27 = arith.constant 0 : index
      %get3A_28 = arith.constant 0 : index
      %get3A_29 = vector.load %arg10[%get3A_27, %get3A_28] : memref<512x512xf32, #tpu.memory_space<vmem>>, vector<512x512xf32>
      %dot_general3A = arith.constant dense<0.000000e+00> : vector<128x512xf32>
      %dot_general3A_30 = tpu.matmul %get3A_26, %get3A_29, %dot_general3A {dimension_numbers = #tpu.dot_dimension_numbers<[1], [0], [0], [1], [0, 0, 1, 1], [], []>, transpose_lhs_hint = false} : vector<128x512xf32>, vector<512x512xf32>, vector<128x512xf32> -> vector<128x512xf32>
      %get3A_31 = arith.constant 0 : index
      %get3A_32 = arith.constant 0 : index
      %get3A_33 = vector.load %arg11[%get3A_31, %get3A_32] : memref<1x512xf32, #tpu.memory_space<vmem>>, vector<1x512xf32>
      %add3A = vector.broadcast %get3A_33 : vector<1x512xf32> to vector<128x512xf32>
      %add3A_34 = arith.addf %dot_general3A_30, %add3A : vector<128x512xf32>
      %max3A = arith.constant 0.000000e+00 : f32
      %max3A_35 = vector.broadcast %max3A : f32 to vector<128x512xf32>
      %max3A_36 = arith.maximumf %add3A_34, %max3A_35 : vector<128x512xf32>
      %get3A_37 = arith.constant 0 : index
      %get3A_38 = arith.constant 0 : index
      %get3A_39 = vector.load %arg12[%get3A_37, %get3A_38] : memref<512x512xf32, #tpu.memory_space<vmem>>, vector<512x512xf32>
      %dot_general3A_40 = arith.constant dense<0.000000e+00> : vector<128x512xf32>
      %dot_general3A_41 = tpu.matmul %max3A_36, %get3A_39, %dot_general3A_40 {dimension_numbers = #tpu.dot_dimension_numbers<[1], [0], [0], [1], [0, 0, 1, 1], [], []>, transpose_lhs_hint = false} : vector<128x512xf32>, vector<512x512xf32>, vector<128x512xf32> -> vector<128x512xf32>
      %get3A_42 = arith.constant 0 : index
      %get3A_43 = arith.constant 0 : index
      %get3A_44 = vector.load %arg13[%get3A_42, %get3A_43] : memref<1x512xf32, #tpu.memory_space<vmem>>, vector<1x512xf32>
      %add3A_45 = vector.broadcast %get3A_44 : vector<1x512xf32> to vector<128x512xf32>
      %add3A_46 = arith.addf %dot_general3A_41, %add3A_45 : vector<128x512xf32>
      %max3A_47 = arith.constant 0.000000e+00 : f32
      %max3A_48 = vector.broadcast %max3A_47 : f32 to vector<128x512xf32>
      %max3A_49 = arith.maximumf %add3A_46, %max3A_48 : vector<128x512xf32>
      %get3A_50 = arith.constant 0 : index
      %get3A_51 = arith.constant 0 : index
      %get3A_52 = vector.load %arg14[%get3A_50, %get3A_51] : memref<512x1xf32, #tpu.memory_space<vmem>>, vector<512x1xf32>
      %dot_general3A_53 = arith.constant dense<0.000000e+00> : vector<128x1xf32>
      %dot_general3A_54 = tpu.matmul %max3A_49, %get3A_52, %dot_general3A_53 {dimension_numbers = #tpu.dot_dimension_numbers<[1], [0], [0], [1], [0, 0, 1, 1], [], []>, transpose_lhs_hint = false} : vector<128x512xf32>, vector<512x1xf32>, vector<128x1xf32> -> vector<128x1xf32>
      %get3A_55 = arith.constant 0 : index
      %get3A_56 = arith.constant 0 : index
      %get3A_57 = vector.load %arg15[%get3A_55, %get3A_56] : memref<1x1xf32, #tpu.memory_space<vmem>>, vector<1x1xf32>
      %add3A_58 = vector.broadcast %get3A_57 : vector<1x1xf32> to vector<128x1xf32>
      %add3A_59 = arith.addf %dot_general3A_54, %add3A_58 : vector<128x1xf32>
      %swap3A = arith.constant 0 : index
      %swap3A_60 = arith.constant 0 : index
      %swap3A_61 = vector.load %arg17[%swap3A, %swap3A_60] : memref<128x1xf32, #tpu.memory_space<vmem>>, vector<128x1xf32>
      tpu.vector_store %arg17[%swap3A, %swap3A_60], %add3A_59 {strides = array<i32>} : memref<128x1xf32, #tpu.memory_space<vmem>>, vector<128x1xf32>,
    } else {
    }
    return
  }
  func.func @transform_0(%arg0: i32, %arg1: memref<28xi32, #tpu.memory_space<smem>>) -> (i32, i32) {
    %c0_i32 = arith.constant 0 : i32
    %c0_i32_0 = arith.constant 0 : i32
    %c0_i32_1 = arith.constant 0 : i32
    return %c0_i32, %c0_i32_0 : i32, i32
  }
  func.func @transform_1(%arg0: i32, %arg1: memref<28xi32, #tpu.memory_space<smem>>) -> (i32, i32) {
    %c0_i32 = arith.constant 0 : i32
    %c0_i32_0 = arith.constant 0 : i32
    %c0_i32_1 = arith.constant 0 : i32
    return %c0_i32, %c0_i32_0 : i32, i32
  }
  func.func @transform_2(%arg0: i32, %arg1: memref<28xi32, #tpu.memory_space<smem>>) -> (i32, i32, i32) {
    %min3A = arith.constant 27 : i32
    %min3A_0 = arith.minsi %arg0, %min3A : i32
    %get3A = arith.index_cast %min3A_0 : i32 to index
    %get3A_1 = memref.load %arg1[%get3A] : memref<28xi32, #tpu.memory_space<smem>>
    %c0_i32 = arith.constant 0 : i32
    %c0_i32_2 = arith.constant 0 : i32
    %c0_i32_3 = arith.constant 0 : i32
    return %get3A_1, %c0_i32, %c0_i32_2 : i32, i32, i32
  }
  func.func @transform_3(%arg0: i32, %arg1: memref<28xi32, #tpu.memory_space<smem>>) -> (i32, i32, i32) {
    %min3A = arith.constant 27 : i32
    %min3A_0 = arith.minsi %arg0, %min3A : i32
    %get3A = arith.index_cast %min3A_0 : i32 to index
    %get3A_1 = memref.load %arg1[%get3A] : memref<28xi32, #tpu.memory_space<smem>>
    %c0_i32 = arith.constant 0 : i32
    %c0_i32_2 = arith.constant 0 : i32
    %c0_i32_3 = arith.constant 0 : i32
    return %get3A_1, %c0_i32, %c0_i32_2 : i32, i32, i32
  }
  func.func @transform_4(%arg0: i32, %arg1: memref<28xi32, #tpu.memory_space<smem>>) -> (i32, i32, i32) {
    %min3A = arith.constant 27 : i32
    %min3A_0 = arith.minsi %arg0, %min3A : i32
    %get3A = arith.index_cast %min3A_0 : i32 to index
    %get3A_1 = memref.load %arg1[%get3A] : memref<28xi32, #tpu.memory_space<smem>>
    %c0_i32 = arith.constant 0 : i32
    %c0_i32_2 = arith.constant 0 : i32
    %c0_i32_3 = arith.constant 0 : i32
    return %get3A_1, %c0_i32, %c0_i32_2 : i32, i32, i32
  }
  func.func @transform_5(%arg0: i32, %arg1: memref<28xi32, #tpu.memory_space<smem>>) -> (i32, i32) {
    %c0_i32 = arith.constant 0 : i32
    %c0_i32_0 = arith.constant 0 : i32
    %c0_i32_1 = arith.constant 0 : i32
    return %c0_i32, %c0_i32_0 : i32, i32
  }
  func.func @transform_6(%arg0: i32, %arg1: memref<28xi32, #tpu.memory_space<smem>>) -> (i32, i32) {
    %c0_i32 = arith.constant 0 : i32
    %c0_i32_0 = arith.constant 0 : i32
    %c0_i32_1 = arith.constant 0 : i32
    return %c0_i32, %c0_i32_0 : i32, i32
  }
  func.func @transform_7(%arg0: i32, %arg1: memref<28xi32, #tpu.memory_space<smem>>) -> (i32, i32) {
    %c0_i32 = arith.constant 0 : i32
    %c0_i32_0 = arith.constant 0 : i32
    %c0_i32_1 = arith.constant 0 : i32
    return %c0_i32, %c0_i32_0 : i32, i32
  }
  func.func @transform_8(%arg0: i32, %arg1: memref<28xi32, #tpu.memory_space<smem>>) -> (i32, i32) {
    %c0_i32 = arith.constant 0 : i32
    %c0_i32_0 = arith.constant 0 : i32
    %c0_i32_1 = arith.constant 0 : i32
    return %c0_i32, %c0_i32_0 : i32, i32
  }
  func.func @transform_9(%arg0: i32, %arg1: memref<28xi32, #tpu.memory_space<smem>>) -> (i32, i32) {
    %c0_i32 = arith.constant 0 : i32
    %c0_i32_0 = arith.constant 0 : i32
    %c0_i32_1 = arith.constant 0 : i32
    return %c0_i32, %c0_i32_0 : i32, i32
  }
  func.func @transform_10(%arg0: i32, %arg1: memref<28xi32, #tpu.memory_space<smem>>) -> (i32, i32) {
    %c0_i32 = arith.constant 0 : i32
    %c0_i32_0 = arith.constant 0 : i32
    %c0_i32_1 = arith.constant 0 : i32
    return %c0_i32, %c0_i32_0 : i32, i32
  }
  func.func @transform_11(%arg0: i32, %arg1: memref<28xi32, #tpu.memory_space<smem>>) -> (i32, i32) {
    %c0_i32 = arith.constant 0 : i32
    %c0_i32_0 = arith.constant 0 : i32
    %c0_i32_1 = arith.constant 0 : i32
    return %c0_i32, %c0_i32_0 : i32, i32
  }
  func.func @transform_12(%arg0: i32, %arg1: memref<28xi32, #tpu.memory_space<smem>>) -> (i32, i32) {
    %c0_i32 = arith.constant 0 : i32
    %c0_i32_0 = arith.constant 0 : i32
    %c0_i32_1 = arith.constant 0 : i32
    return %c0_i32, %c0_i32_0 : i32, i32
  }
  func.func @transform_13(%arg0: i32, %arg1: memref<28xi32, #tpu.memory_space<smem>>) -> (i32, i32) {
    %c0_i32 = arith.constant 0 : i32
    %c0_i32_0 = arith.constant 0 : i32
    %c0_i32_1 = arith.constant 0 : i32
    return %c0_i32, %c0_i32_0 : i32, i32
  }
  func.func @transform_14(%arg0: i32, %arg1: memref<28xi32, #tpu.memory_space<smem>>) -> (i32, i32) {
    %c0_i32 = arith.constant 0 : i32
    %c0_i32_0 = arith.constant 0 : i32
    return %arg0, %c0_i32 : i32, i32
  }
  func.func @transform_15(%arg0: i32, %arg1: memref<28xi32, #tpu.memory_space<smem>>) -> (i32, i32) {
    %min3A = arith.constant 16 : i32
    %min3A_0 = arith.minsi %arg0, %min3A : i32
    %c0_i32 = arith.constant 0 : i32
    %c0_i32_1 = arith.constant 0 : i32
    return %min3A_0, %c0_i32 : i32, i32
  }
}

</mosaic_0001>

<sc_bundles>
// kernel: kernel.4.cloned.1.call-start
scs
__scs_entry_jumppad:
0x0: {  	(pc) =	sbr.rel $0x88, $3  }
0x1: {  	(tag) =	ssettag $0x0;
	lr =	simm.s32 $0x1  }
0x2: {  	[smem:$0x3F93] =	sst lr;
	_ =	strace $0xD0000000  }
0x3: {  	_ = 	snop  }
0x4: {  	_ = 	snop  }
0x5: {  	_ = 	snop  }
0x6: {  	_ = 	snop  }
0x7: {  	_ = 	snop  }
__scs_overlays_trampoline_lowered:
0x8: {  	[smem:$0x3FA2] =	sst s0  }
0x9: {  	[smem:$0x3FA3] =	sst s1  }
0xa: {  	[smem:$0x3FA4] =	sst s2  }
0xb: {  	[smem:$0x3FA5] =	sst s3  }
0xc: {  	[smem:$0x3FA6] =	sst s4  }
0xd: {  	[smem:$0x3FA7] =	sst s5  }
0xe: {  	[smem:$0x3FA8] =	sst s6  }
0xf: {  	[smem:$0x3FA9] =	sst s7  }
0x10: {  	[smem:$0x3FAA] =	sst s8  }
0x11: {  	[smem:$0x3FAB] =	sst s9;
	s0 =	simm.s32 @!p0 $0x0  }
0x12: {  	s1 =	sld [smem:$0x3F91];
	s0 =	simm.s32 @p0 $0x1  }
0x13: {  	[smem:$0x3FAC] =	sst s0;
	s0 =	simm.s32 @!p1 $0x0  }
0x14: {  	s2 =	sld [smem:$0x3F90];
	s0 =	simm.s32 @p1 $0x1  }
0x15: {  	[smem:$0x3FAD] =	sst s0;
	s0 =	simm.s32 @!p2 $0x0  }
0x16: {  	s3 =	sld [smem:$0x3FDB];
	s0 =	simm.s32 @p2 $0x1  }
0x17: {  	s4 =	simm.s32 $0x1BF5;
	[smem:$0x3FAF] =	sst s0  }
0x18: {  	s0 =	sld [smem:$0x3F92];
	_ =	swait.ge [sflag:s4], $0x0  }
0x19: {  	s7 =	sld [smem:$0x3F93]  }
0x1a: {  	s8 =	sadd.s32 $0xFFFFE003, lr  }
0x1b: {  	s9 =	sadd.s32 $0xFFFFFEF7, lr;
	s5 =	simm.s32 $0xFFFFFFFF;
	p2 =	slt.u32 s8, $0xFFFFF086  }
0x1c: {  	p1 =	slt.u32 s9, $0xF7A;
	s5 =	simm.s32 @!p2 $0x0  }
0x1d: {  	s5 =	simm.s32 @p1 $0x1;
	p0 =	seq.s32 s7, s2  }
0x1e: {  	s7 =	smul.u32 @!p0 $0xF7A, s2;
	p2 =	seq.s32 @!p0 s5, $0x0  }
0x1f: {  	s9 =	smul.u32 $0xF7A, s1;
	s8 =	simm.s32 @!p0 $0x1BF5;
	p2 =	por !p2, p0  }
0x20: {  	[sflag:s8] =	ssyncset.s32 @!p0 $0xFFFFF086;
	s6 =	sadd.s32 @!p0 s3, s7;
	s7 =	simm.s32 @!p0 $0x108  }
0x21: {  	s3 =	sadd.s32 s3, s9;
	s6 =	sadd.s32 @!p0 $0x88, s6;
	s7 =	simm.s32 @p2 $0x1082  }
0x22: {  	[simem:s7], [sflag:s8] =	dma.local @!p0 [hbm:s6], $0xF7A  }
0x23: {  	s9 =	sor.u32 $0xD0000000, s2;
	s6 =	simm.s32 $0x108;
	_ =	swait.ge @!p0 [sflag:s8], $0x0  }
0x24: {  	s3 =	sadd.s32 $0x88, s3;
	s6 =	simm.s32 @!p1 $0x1082;
	[sflag:s4] =	ssyncset.s32 $0xFFFFF086  }
0x25: {  	[simem:s6], [sflag:s4] =	dma.local [hbm:s3], $0xF7A  }
0x26: {  	[smem:$0x3F93] =	sst s1;
	(tag) =	ssettag s2;
	_ =	strace s9  }
0x27: {  	s1 =	sld [smem:$0x3FA3]  }
0x28: {  	s2 =	sld [smem:$0x3FA4]  }
0x29: {  	s4 =	sld [smem:$0x3FA6]  }
0x2a: {  	p0 =	seq.s32 s5, $0x0;
	s5 =	sld [smem:$0x3FA7]  }
0x2b: {  	s6 =	sld [smem:$0x3FA8]  }
0x2c: {  	s7 =	sld [smem:$0x3FA9]  }
0x2d: {  	s3 =	simm.s32 $0x108;
	s8 =	sld [smem:$0x3FAA]  }
0x2e: {  	s3 =	simm.s32 @!p0 $0x1082;
	s9 =	sld [smem:$0x3FAB]  }
0x2f: {  	lr =	sadd.s32 s0, s3;
	s0 =	sld [smem:$0x3FA2]  }
0x30: {  	s3 =	sld [smem:$0x3FA5]  }
0x31: {  	[smem:$0x3FAE] =	sst s10  }
0x32: {  	s10 =	sld [smem:$0x3FAC];
	_ =	sdelay $0x3  }
0x33: {  	p0 =	seq.s32 s10, $0x1;
	s10 =	sld [smem:$0x3FAE];
	_ =	sdelay $0x3  }
0x34: {  	[smem:$0x3FAE] =	sst s10  }
0x35: {  	s10 =	sld [smem:$0x3FAD];
	_ =	sdelay $0x3  }
0x36: {  	p1 =	seq.s32 s10, $0x1;
	s10 =	sld [smem:$0x3FAE];
	_ =	sdelay $0x3  }
0x37: {  	[smem:$0x3FAE] =	sst s10  }
0x38: {  	s10 =	sld [smem:$0x3FAF]  }
0x39: {  	_ = 	snop;
	(pc) =	sbr.ind lr, $3  }
0x3a: {  	_ = 	snop  }
0x3b: {  	_ = 	snop  }
0x3c: {  	p2 =	seq.s32 s10, $0x1;
	s10 =	sld [smem:$0x3FAE]  }
0x3d: {  	_ =	shalt  }
0x3e: {  	_ =	shalt  }
0x3f: {  	_ =	shalt  }
0x40: {  	_ =	shalt  }
0x41: {  	_ =	shalt  }
0x42: {  	_ =	shalt  }
0x43: {  	_ =	shalt  }
0x44: {  	_ =	shalt  }
0x45: {  	_ =	shalt  }
0x46: {  	_ =	shalt  }
0x47: {  	_ =	shalt  }
0x48: {  	_ =	shalt  }
0x49: {  	_ =	shalt  }
0x4a: {  	_ =	shalt  }
0x4b: {  	_ =	shalt  }
0x4c: {  	_ =	shalt  }
0x4d: {  	_ =	shalt  }
0x4e: {  	_ =	shalt  }
0x4f: {  	_ =	shalt  }
0x50: {  	_ =	shalt  }
0x51: {  	_ =	shalt  }
0x52: {  	_ =	shalt  }
0x53: {  	_ =	shalt  }
0x54: {  	_ =	shalt  }
0x55: {  	_ =	shalt  }
0x56: {  	_ =	shalt  }
0x57: {  	_ =	shalt  }
0x58: {  	_ =	shalt  }
0x59: {  	_ =	shalt  }
0x5a: {  	_ =	shalt  }
0x5b: {  	_ =	shalt  }
0x5c: {  	_ =	shalt  }
0x5d: {  	_ =	shalt  }
0x5e: {  	_ =	shalt  }
0x5f: {  	_ =	shalt  }
0x60: {  	_ =	shalt  }
0x61: {  	_ =	shalt  }
0x62: {  	_ =	shalt  }
0x63: {  	_ =	shalt  }
0x64: {  	_ =	shalt  }
0x65: {  	_ =	shalt  }
0x66: {  	_ =	shalt  }
0x67: {  	_ =	shalt  }
0x68: {  	_ =	shalt  }
0x69: {  	_ =	shalt  }
0x6a: {  	_ =	shalt  }
0x6b: {  	_ =	shalt  }
0x6c: {  	_ =	shalt  }
0x6d: {  	_ =	shalt  }
0x6e: {  	_ =	shalt  }
0x6f: {  	_ =	shalt  }
0x70: {  	_ =	shalt  }
0x71: {  	_ =	shalt  }
0x72: {  	_ =	shalt  }
0x73: {  	_ =	shalt  }
0x74: {  	_ =	shalt  }
0x75: {  	_ =	shalt  }
0x76: {  	_ =	shalt  }
0x77: {  	_ =	shalt  }
0x78: {  	_ =	shalt  }
0x79: {  	_ =	shalt  }
0x7a: {  	_ =	shalt  }
0x7b: {  	_ =	shalt  }
0x7c: {  	_ =	shalt  }
0x7d: {  	_ =	shalt  }
0x7e: {  	_ =	shalt  }
0x7f: {  	_ =	shalt  }
0x80: {  	_ =	shalt  }
0x81: {  	_ =	shalt  }
0x82: {  	_ =	shalt  }
0x83: {  	_ =	shalt  }
0x84: {  	_ =	shalt  }
0x85: {  	_ =	shalt  }
0x86: {  	_ =	shalt  }
0x87: {  	_ =	shalt  }
.Lfunc_end0:
.L_simem_size_0:
called_computation_lowered:
.L_overlay_start_0:
0x88: {  	s2 =	sld [smem:$0x3FD9]  }
0x89: {  	s3 =	sld [smem:$0x3FFE];
	_ =	sdelay $0x1  }
0x8a: {  	s1 =	srdreg.scid  }
0x8b: {  	s0 =	sand.u32 $0x1, s1  }
0x8c: {  	s17 =	sshll.u32 s0, $0xA;
	s2 =	sadd.s32 s3, s2  }
0x8d: {  	s2 =	sadd.s32 s2, s17  }
0x8e: {  	[smem:$0x3FBA] =	sst s2  }
0x8f: {  	_ = 	snop  }
0x90: {  	s2 =	sld [smem:$0x3FD0];
	(tm) =	ssettm $0x1  }
0x91: {  	s18 =	sld [smem:$0x3FFB];
	_ =	sdelay $0x3  }
0x92: {  	_ =	strace s18  }
0x93: {  	s3 =	sld [smem:$0x3FFC];
	_ =	sdelay $0x3  }
0x94: {  	_ =	strace s3  }
0x95: {  	s3 =	sld [smem:$0x3FFD];
	_ =	sdelay $0x3  }
0x96: {  	_ =	strace s3  }
0x97: {  	_ =	strace $0x8FFFFFFF  }
0x98: {  	s19 =	sld [smem:$0x3FDB];
	_ =	sdelay $0x1  }
0x99: {  	s4 =	simm.s32 $_scs_section_size  }
0x9a: {  	s5 =	simm.s32 $_size__tile_overlayer_lowered;
	s6 =	simm.s32 $_tile_overlayer_lowered  }
0x9b: {  	s22 =	simm.s32 $0x1BFF;
	s21 =	sshll.u32 s6, $0x1;
	s3 =	sadd.s32 s4, s19  }
0x9c: {  	s7 =	simm.s32 $0x0;
	s20 =	sshll.u32 s5, $0x1;
	s5 =	sadd.s32 s21, s3  }
0x9d: {  	[timem:s7], [sflag:s22] =	dma.local [hbm:s5], s20  }
0x9e: {  	_ =	swait.ge [sflag:s22], s20  }
0x9f: {  	s4 =	ssub.s32 $0x0, s20;
	[sflag:s22] =	ssyncset.done $0x0  }
0xa0: {  	[sflag:s22] =	ssyncadd.s32 s4;
	_ =	sdelay $0x1  }
0xa1: {  	s23 =	simm.s32 $0x1B8B  }
0xa2: {  	_ =	swait.ge [sflag:s23], $0x1  }
0xa3: {  	[sflag:s23] =	ssyncset.done $0x0  }
0xa4: {  	s25 =	simm.s32 $0x1B8E;
	s24 =	sld [smem:$0x3FFE];
	[sflag:s23] =	ssyncadd.s32 $0xFFFFFFFF  }
0xa5: {  	s26 =	simm.s32 $execute0_lowered;
	[smem:$0x3FD2] =	sst s25  }
0xa6: {  	s5 =	sshll.u32 s26, $0x1;
	_ =	strace $0x80000046;
	[dreg:$0x1] =	wrdreg $0xFFFFFFFF  }
0xa7: {  	s28 =	simm.s32 $_size_execute0_lowered;
	s3 =	sadd.s32 s3, s5;
	[dreg:$0x0] =	wrdreg $0x0  }
0xa8: {  	s5 =	sshll.u32 s28, $0x1;
	[dreg:$0x2] =	wrdreg s3  }
0xa9: {  	[dreg:$0x3] =	wrdreg s5  }
0xaa: {  	[dreg:$0x4] =	wrdreg $0xC0  }
0xab: {  	_ =	task [dreg:s7], $0x5FFFF  }
0xac: {  	[dreg:$0x1] =	wrdreg $0xFFFFFFFF  }
0xad: {  	[dreg:$0x0] =	wrdreg $0x60  }
0xae: {  	[dreg:$0x2] =	wrdreg s24  }
0xaf: {  	[dreg:$0x3] =	wrdreg s2  }
0xb0: {  	[dreg:$0x4] =	wrdreg $0x9  }
0xb1: {  	_ =	task.clear_ibuf [dreg:s7], $0x5FFFF;
	_ =	strace $0x90000046  }
0xb2: {  	s29 =	simm.s32 $0x9;
	_ =	strace $0x80000048  }
0xb3: {  	_ =	swait.ge [sflag:s29], $0x1  }
0xb4: {  	[sflag:s29] =	ssyncadd.s32 $0xFFFFFFFF  }
0xb5: {  	_ =	strace $0x90000048  }
0xb6: {  	_ =	sfence  }
0xb7: {  	s30 =	sld [smem:$0x0];
	_ =	sdelay $0x2  }
0xb8: {  	s31 =	sshll.u32 s1, $0xD;
	s1 =	sshrl.u32 s1, $0x2  }
0xb9: {  	s3 =	sand.u32 $0x4000, s31;
	s1 =	sadd.s32 s1, s30  }
0xba: {  	s0 =	sor.u32 s3, s0;
	s1 =	sshll.u32 s1, $0x11  }
0xbb: {  	s0 =	sor.u32 s1, s0  }
0xbc: {  	s0 =	sadd.s32 $0x8F2B, s0  }
0xbd: {  	[sflag:s0] =	ssyncadd.remote.s32 $0x1  }
0xbe: {  	_ =	sfence.sel $0xFFFF  }
0xbf: {  	[dreg:$0x0] =	wrdreg $0xFFFFFFFF;
	(pc) =	sbr.abs _section_cstart, $3  }
0xc0: {  	[dreg:$0x1] =	wrdreg $0xFFFFFFFF  }
0xc1: {  	_ =	task.clear_ibuf [dreg:s7], $0x2FFFF;
	_ =	strace $0x9FFFFFFF  }
0xc2: {  	(tm) =	ssettm $0x7FFFFFFF  }
0xc3: {  	_ =	shalt  }
tec
execute0_lowered:
.L_overlay_start_1:
0x0: {  	(tag) =	ssettag $0x1  }
0x1: {  	s1 =	srdreg.scid  }
0x2: {  	s2 =	rddreg [dreg:$0x0];
	s0 =	stileid.u32;
	s22 =	sand.u32 $0x1, s1  }
0x3: {  	s4 =	rddreg [dreg:$0x1];
	s5 =	sshll.u32 s0, $0x7;
	s6 =	sshll.u32 s22, $0x6  }
0x4: {  	s3 =	simm.s32 $0x0;
	s1 =	rddreg [dreg:$0x2];
	s23 =	sor.u32 s6, s5  }
0x5: {  	[smem:$0x7FF] =	sst s3;
	s5 =	sshrl.u32 s23, $0x3  }
0x6: {  	_ =	strace $0x80000047;
	s5 =	sadd.s32 s4, s5;
	s4 =	simm.s32 $0x2  }
0x7: {  	[tilespmem:s3], [sflag:$0x2] =	stream.linear.gather [hbm4b:s5+s3], $0x40, $0x38;
	[tilespmem:$0x2080] =	vst v63  }
0x8: {  	_ =	swait.ge [sflag:s4], $0x40  }
0x9: {  	[sflag:s4] =	ssyncset.done $0x0  }
0xa: {  	s7 =	simm.s32 $0x80;
	s6 =	simm.s32 $0x8;
	[sflag:s4] =	ssyncadd.s32 $0xFFFFFFC0  }
0xb: {  	[tilespmem:s7], [sflag:$0x1] =	stream.indirect.gather [hbm4b:s2+s6], $0x80, s3, s6, $0xb8;
	[tilespmem:$0x2080] =	vst v63  }
0xc: {  	s8 =	simm.s32 $0x480  }
0xd: {  	[tilespmem:s8], [sflag:$0x1] =	stream.indirect.gather [hbm4b:s2+s6], $0x80, s6, s6, $0xb8;
	[tilespmem:$0x2080] =	vst v63  }
0xe: {  	s9 =	simm.s32 $0x10;
	s10 =	simm.s32 $0x880  }
0xf: {  	[tilespmem:s10], [sflag:$0x1] =	stream.indirect.gather [hbm4b:s2+s6], $0x80, s9, s6, $0xb8;
	[tilespmem:$0x2080] =	vst v63  }
0x10: {  	s11 =	simm.s32 $0x18;
	s12 =	simm.s32 $0xC80  }
0x11: {  	[tilespmem:s12], [sflag:$0x1] =	stream.indirect.gather [hbm4b:s2+s6], $0x80, s11, s6, $0xb8;
	[tilespmem:$0x2080] =	vst v63  }
0x12: {  	s13 =	simm.s32 $0x20;
	s14 =	simm.s32 $0x1080  }
0x13: {  	[tilespmem:s14], [sflag:$0x1] =	stream.indirect.gather [hbm4b:s2+s6], $0x80, s13, s6, $0xb8;
	[tilespmem:$0x2080] =	vst v63  }
0x14: {  	s15 =	simm.s32 $0x28;
	s16 =	simm.s32 $0x1480  }
0x15: {  	[tilespmem:s16], [sflag:$0x1] =	stream.indirect.gather [hbm4b:s2+s6], $0x80, s15, s6, $0xb8;
	[tilespmem:$0x2080] =	vst v63  }
0x16: {  	s17 =	simm.s32 $0x30;
	s18 =	simm.s32 $0x1880  }
0x17: {  	[tilespmem:s18], [sflag:$0x1] =	stream.indirect.gather [hbm4b:s2+s6], $0x80, s17, s6, $0xb8;
	[tilespmem:$0x2080] =	vst v63  }
0x18: {  	s19 =	simm.s32 $0x38;
	s20 =	simm.s32 $0x1C80;
	s21 =	simm.s32 $0x1  }
0x19: {  	[tilespmem:s20], [sflag:$0x1] =	stream.indirect.gather [hbm4b:s2+s6], $0x80, s19, s6, $0xb8;
	[tilespmem:$0x2080] =	vst v63  }
0x1a: {  	_ =	swait.ge [sflag:s21], $0x400  }
0x1b: {  	[sflag:s21] =	ssyncset.done $0x0  }
0x1c: {  	[sflag:s21] =	ssyncadd.s32 $0xFFFFFC00  }
0x1d: {  	_ =	swait.ge [sflag:s21], $0x400  }
0x1e: {  	[sflag:s21] =	ssyncset.done $0x0  }
0x1f: {  	[sflag:s21] =	ssyncadd.s32 $0xFFFFFC00  }
0x20: {  	_ =	swait.ge [sflag:s21], $0x400  }
0x21: {  	[sflag:s21] =	ssyncset.done $0x0  }
0x22: {  	[sflag:s21] =	ssyncadd.s32 $0xFFFFFC00  }
0x23: {  	_ =	swait.ge [sflag:s21], $0x400  }
0x24: {  	[sflag:s21] =	ssyncset.done $0x0  }
0x25: {  	[sflag:s21] =	ssyncadd.s32 $0xFFFFFC00  }
0x26: {  	_ =	swait.ge [sflag:s21], $0x400  }
0x27: {  	[sflag:s21] =	ssyncset.done $0x0  }
0x28: {  	[sflag:s21] =	ssyncadd.s32 $0xFFFFFC00  }
0x29: {  	_ =	swait.ge [sflag:s21], $0x400  }
0x2a: {  	[sflag:s21] =	ssyncset.done $0x0  }
0x2b: {  	s22 =	ssub.s32 $0x2, s22;
	[sflag:s21] =	ssyncadd.s32 $0xFFFFFC00  }
0x2c: {  	s24 =	sshrl.u32 s22, $0x1;
	_ =	swait.ge [sflag:s21], $0x400  }
0x2d: {  	s24 =	ssub.s32 s22, s24;
	[sflag:s21] =	ssyncset.done $0x0  }
0x2e: {  	s31 =	smax.u32 s24, $0x1;
	[sflag:s21] =	ssyncadd.s32 $0xFFFFFC00  }
0x2f: {  	s23 =	sshll.u32 s23, $0x4;
	p0 =	sne.s32 s31, $0x1;
	_ =	swait.ge [sflag:s21], $0x400  }
.Ltmp0:
0x30: {  	s30 =	sadd.s32 s23, s2;
	[sflag:s21] =	ssyncset.done $0x0;
	(pc) =	sbr.rel @!p0 .LBB2_2-.Ltmp0, $4  }
0x31: {  	s22 =	sadd.s32 $0xE000, s30;
	[sflag:s21] =	ssyncadd.s32 $0xFFFFFC00  }
0x32: {  	[hbm4b:s22+s3] =	stream.linear.scatter [tilespmem:s7], [sflag:$0x2], $0x2000, $0x38;
	[tilespmem:$0x2080] =	vst v63  }
0x33: {  	_ =	swait.ge [sflag:s4], $0x2000  }
0x34: {  	s23 =	sadd.s32 $0xFFFFFFFF, s31;
	[sflag:s4] =	ssyncset.done $0x0  }
.LBB2_1:
0x35: {  	p0 =	sne.s32 s23, $0x1;
	s23 =	sadd.s32 $0xFFFFFFFF, s23;
	[sflag:s4] =	ssyncadd.s32 $0xFFFFE000  }
0x36: {  	[tilespmem:s3], [sflag:$0x2] =	stream.linear.gather [hbm4b:s5+s3], $0x40, $0x38;
	[tilespmem:$0x2080] =	vst v63  }
0x37: {  	_ =	swait.ge [sflag:s4], $0x40  }
0x38: {  	[sflag:s4] =	ssyncset.done $0x0  }
0x39: {  	[sflag:s4] =	ssyncadd.s32 $0xFFFFFFC0  }
0x3a: {  	[tilespmem:s7], [sflag:$0x1] =	stream.indirect.gather [hbm4b:s2+s6], $0x80, s3, s6, $0xb8;
	[tilespmem:$0x2080] =	vst v63  }
0x3b: {  	_ = 	snop  }
0x3c: {  	[tilespmem:s8], [sflag:$0x1] =	stream.indirect.gather [hbm4b:s2+s6], $0x80, s6, s6, $0xb8;
	[tilespmem:$0x2080] =	vst v63  }
0x3d: {  	_ = 	snop  }
0x3e: {  	[tilespmem:s10], [sflag:$0x1] =	stream.indirect.gather [hbm4b:s2+s6], $0x80, s9, s6, $0xb8;
	[tilespmem:$0x2080] =	vst v63  }
0x3f: {  	_ = 	snop  }
0x40: {  	[tilespmem:s12], [sflag:$0x1] =	stream.indirect.gather [hbm4b:s2+s6], $0x80, s11, s6, $0xb8;
	[tilespmem:$0x2080] =	vst v63  }
0x41: {  	_ = 	snop  }
0x42: {  	[tilespmem:s14], [sflag:$0x1] =	stream.indirect.gather [hbm4b:s2+s6], $0x80, s13, s6, $0xb8;
	[tilespmem:$0x2080] =	vst v63  }
0x43: {  	_ = 	snop  }
0x44: {  	[tilespmem:s16], [sflag:$0x1] =	stream.indirect.gather [hbm4b:s2+s6], $0x80, s15, s6, $0xb8;
	[tilespmem:$0x2080] =	vst v63  }
0x45: {  	_ = 	snop  }
0x46: {  	[tilespmem:s18], [sflag:$0x1] =	stream.indirect.gather [hbm4b:s2+s6], $0x80, s17, s6, $0xb8;
	[tilespmem:$0x2080] =	vst v63  }
0x47: {  	_ = 	snop  }
0x48: {  	[tilespmem:s20], [sflag:$0x1] =	stream.indirect.gather [hbm4b:s2+s6], $0x80, s19, s6, $0xb8;
	[tilespmem:$0x2080] =	vst v63  }
0x49: {  	_ =	swait.ge [sflag:s21], $0x400  }
0x4a: {  	[sflag:s21] =	ssyncset.done $0x0  }
0x4b: {  	[sflag:s21] =	ssyncadd.s32 $0xFFFFFC00  }
0x4c: {  	_ =	swait.ge [sflag:s21], $0x400  }
0x4d: {  	[sflag:s21] =	ssyncset.done $0x0  }
0x4e: {  	[sflag:s21] =	ssyncadd.s32 $0xFFFFFC00  }
0x4f: {  	_ =	swait.ge [sflag:s21], $0x400  }
0x50: {  	[sflag:s21] =	ssyncset.done $0x0  }
0x51: {  	[sflag:s21] =	ssyncadd.s32 $0xFFFFFC00  }
0x52: {  	_ =	swait.ge [sflag:s21], $0x400  }
0x53: {  	[sflag:s21] =	ssyncset.done $0x0  }
0x54: {  	[sflag:s21] =	ssyncadd.s32 $0xFFFFFC00  }
0x55: {  	_ =	swait.ge [sflag:s21], $0x400  }
0x56: {  	[sflag:s21] =	ssyncset.done $0x0  }
0x57: {  	[sflag:s21] =	ssyncadd.s32 $0xFFFFFC00  }
0x58: {  	_ =	swait.ge [sflag:s21], $0x400  }
0x59: {  	[sflag:s21] =	ssyncset.done $0x0  }
0x5a: {  	[sflag:s21] =	ssyncadd.s32 $0xFFFFFC00  }
0x5b: {  	_ =	swait.ge [sflag:s21], $0x400  }
0x5c: {  	[sflag:s21] =	ssyncset.done $0x0  }
0x5d: {  	[sflag:s21] =	ssyncadd.s32 $0xFFFFFC00  }
0x5e: {  	_ =	swait.ge [sflag:s21], $0x400  }
.Ltmp1:
0x5f: {  	[sflag:s21] =	ssyncset.done $0x0;
	(pc) =	sbr.rel @p0 .LBB2_1-.Ltmp1, $4  }
0x60: {  	[sflag:s21] =	ssyncadd.s32 $0xFFFFFC00  }
0x61: {  	[hbm4b:s22+s3] =	stream.linear.scatter [tilespmem:s7], [sflag:$0x2], $0x2000, $0x38;
	[tilespmem:$0x2080] =	vst v63  }
0x62: {  	_ =	swait.ge [sflag:s4], $0x2000  }
0x63: {  	[sflag:s4] =	ssyncset.done $0x0  }
.LBB2_2:
0x64: {  	[sflag:s4] =	ssyncadd.s32 $0xFFFFE000  }
0x65: {  	_ =	sfence.sel $0x180000  }
0x66: {  	[bflag:$0x0] =	sbarrier.arrive $0xFFFF  }
0x67: {  	p0 =	sne.s32 s0, $0x0;
	_ =	strace $0x90000047  }
0x68: {  	s0 =	sadd.s32 @!p0 $0x100000, s1;
	[bflag:$0x2] =	sbarrier.arrive $0xFFFF  }
0x69: {  	[sflag:s0] =	ssyncadd.tile.s32 @!p0 $0x1;
	_ =	shalt  }
.Lfunc_end2:
_tile_overlayer_lowered:
.L_overlay_start_2:
0x6a: {  	(tag) =	ssettag $0x2  }
0x6b: {  	s0 =	rddreg [dreg:$0x0];
	s2 =	stileid.u32  }
0x6c: {  	s1 =	rddreg [dreg:$0x1];
	p0 =	sne.s32 s2, $0x0  }
0x6d: {  	s3 =	rddreg [dreg:$0x2];
	[bflag:$0x3] =	sbarrier.arrive $0xFFFF;
	s2 =	simm.s32 @!p0 $0x1C02  }
0x6e: {  	[timem:s3], [sflag:s2] =	dma.local @!p0 [hbm:s0], s1  }
0x6f: {  	s0 =	simm.s32 @!p0 $0x2  }
0x70: {  	_ =	swait.ge @!p0 [sflag:s0], s1  }
0x71: {  	s1 =	ssub.s32 @!p0 $0x0, s1;
	[sflag:s0] =	ssyncset.done @!p0 $0x0  }
0x72: {  	[sflag:s0] =	ssyncadd.s32 @!p0 s1  }
0x73: {  	[bflag:$0x3] =	sbarrier.arrive $0xFFFF  }
0x74: {  	_ =	shalt  }

</sc_bundles>
